<compile_context>
chip_gen: v7x
topology: tpu7x:2x2x1
jax: 0.10.2.dev20260603
libtpu: 0.0.44.dev20260713+nightly
codegen_flags: <defaults>
</compile_context>

<pallas_src>
import functools

import jax
import jax.numpy as jnp
from jax import lax
from jax.experimental import pallas as pl
from jax.experimental.pallas import tpu as pltpu
from jax.experimental.pallas import tpu_sc as plsc

N = 100000
NPAD = 102400
RPT = NPAD // 16
E = 1600000
LANES = 128
J = 4
G = 100
NW = 32
RPW = G * J
EP = NW * RPW * LANES
EROWS = EP // LANES

_mesh = lambda: plsc.VectorSubcoreMesh(core_axis_name="c", subcore_axis_name="s")
_SC_PARAMS = pltpu.CompilerParams(use_tc_tiling_on_sc=False)


JL = J * LANES


def _make_edge_agg(ch):

    @functools.partial(
        pl.kernel,
        out_type=jax.ShapeDtypeStruct((2, NPAD, ch), jnp.float32),
        mesh=_mesh(),
        scratch_types=[
            pltpu.VMEM((2, J, LANES), jnp.int32),
            pltpu.VMEM((J, LANES), jnp.int32),
            pltpu.VMEM((2, JL, ch), jnp.float32),
            pltpu.VMEM_SHARED((NPAD, ch), jnp.float32),
            pltpu.SemaphoreType.DMA,
        ],
        compiler_params=_SC_PARAMS,
    )
    def agg(table, srcr, dstr, zrows, out, idx_s, idx_d, msg, acc, gsem):
        c = lax.axis_index("c")
        s = lax.axis_index("s")
        wid = s * 2 + c
        base = s * RPT
        pltpu.sync_copy(zrows, acc.at[pl.ds(base, RPT)])
        plsc.subcore_barrier()

        def fire(g, b):
            row0 = wid * RPW + g * J
            pltpu.sync_copy(srcr.at[pl.ds(row0, J)], idx_s.at[b])

            def go(j, carry):
                pltpu.async_copy(
                    table.at[idx_s.at[b, j]],
                    msg.at[b, pl.ds(j * LANES, LANES)], gsem)
                return carry

            lax.fori_loop(0, J, go, 0)

        def scatter(g, b):
            row0 = wid * RPW + g * J
            pltpu.sync_copy(dstr.at[pl.ds(row0, J)], idx_d)
            pltpu.make_async_copy(zrows.at[pl.ds(0, JL)], msg.at[b], gsem).wait()

            def go(j, carry):
                pltpu.sync_copy(msg.at[b, pl.ds(j * LANES, LANES)],
                                acc.at[idx_d.at[j]], add=True)
                return carry

            lax.fori_loop(0, J, go, 0)

        fire(0, 0)

        def outer(g, carry):
            b = lax.rem(g, 2)
            fire(g, b)
            scatter(g - 1, 1 - b)
            return carry

        lax.fori_loop(1, G, outer, 0)
        scatter(G - 1, (G - 1) % 2)
        plsc.subcore_barrier()
        pltpu.sync_copy(acc.at[pl.ds(base, RPT)], out.at[c, pl.ds(base, RPT)])

    return agg


def _make_deg():

    @functools.partial(
        pl.kernel,
        out_type=jax.ShapeDtypeStruct((2, NPAD, 8), jnp.float32),
        mesh=_mesh(),
        scratch_types=[
            pltpu.VMEM((J, LANES), jnp.int32),
            pltpu.VMEM((LANES, 8), jnp.float32),
            pltpu.VMEM_SHARED((NPAD, 8), jnp.float32),
        ],
        compiler_params=_SC_PARAMS,
    )
    def deg(dstr, zrows, ones, out, idx_d, onev, acc):
        c = lax.axis_index("c")
        s = lax.axis_index("s")
        wid = s * 2 + c
        base = s * RPT
        pltpu.sync_copy(ones, onev)
        pltpu.sync_copy(zrows, acc.at[pl.ds(base, RPT)])
        plsc.subcore_barrier()

        def outer(g, carry):
            row0 = wid * RPW + g * J
            pltpu.sync_copy(dstr.at[pl.ds(row0, J)], idx_d)

            def inner(j, carry2):
                pltpu.sync_copy(onev, acc.at[idx_d.at[j]], add=True)
                return carry2

            return lax.fori_loop(0, J, inner, carry)

        lax.fori_loop(0, G, outer, 0)
        plsc.subcore_barrier()
        pltpu.sync_copy(acc.at[pl.ds(base, RPT)], out.at[c, pl.ds(base, RPT)])

    return deg


_ROWS_BLK = 4000
_GRID = N // _ROWS_BLK


def _prep_body(d0, d1, x, dinv, xs):
    deg = d0[...] + d1[...] + 1.0
    di = lax.rsqrt(deg)
    dinv[...] = di
    xs[...] = x[...] * di


def _mid_body(p0, p1, xs, dinv, w1, b1, w2, h2s):
    agg = (p0[...] + p1[...] + xs[...]) * dinv[...]
    t = jnp.dot(agg, w1[...], preferred_element_type=jnp.float32) + b1[...]
    h = jnp.maximum(t, 0.0)
    h2s[...] = jnp.dot(h, w2[...], preferred_element_type=jnp.float32) * dinv[...]


def _post_body(q0, q1, h2s, dinv, b2, out):
    out[...] = (q0[...] + q1[...] + h2s[...]) * dinv[...] + b2[...]


def _rows_spec(ch):
    return pl.BlockSpec((_ROWS_BLK, ch), lambda i: (i, 0))


def _full_spec(r, c):
    return pl.BlockSpec((r, c), lambda i: (0, 0))


def kernel(x, edge_index, W1, b1, W2, b2):
    src = edge_index[0].astype(jnp.int32)
    dst = edge_index[1].astype(jnp.int32)
    pad = EP - E
    srcr = jnp.concatenate([src, jnp.zeros((pad,), jnp.int32)]).reshape(EROWS, LANES)
    dstr = jnp.concatenate([dst, jnp.full((pad,), N, jnp.int32)]).reshape(EROWS, LANES)

    degp = _make_deg()(
        dstr, jnp.zeros((RPT, 8), jnp.float32), jnp.ones((LANES, 8), jnp.float32)
    )
    d0 = degp[0, :N, 0:1]
    d1 = degp[1, :N, 0:1]

    dinv, xs = pl.pallas_call(
        _prep_body,
        grid=(_GRID,),
        in_specs=[_rows_spec(1), _rows_spec(1), _rows_spec(8)],
        out_specs=[_rows_spec(1), _rows_spec(8)],
        out_shape=[
            jax.ShapeDtypeStruct((N, 1), jnp.float32),
            jax.ShapeDtypeStruct((N, 8), jnp.float32),
        ],
    )(d0, d1, x)

    p = _make_edge_agg(8)(xs, srcr, dstr, jnp.zeros((RPT, 8), jnp.float32))

    h2s = pl.pallas_call(
        _mid_body,
        grid=(_GRID,),
        in_specs=[
            _rows_spec(8), _rows_spec(8), _rows_spec(8), _rows_spec(1),
            _full_spec(8, 64), _full_spec(1, 64), _full_spec(64, 16),
        ],
        out_specs=_rows_spec(16),
        out_shape=jax.ShapeDtypeStruct((N, 16), jnp.float32),
    )(p[0, :N], p[1, :N], xs, dinv, W1, b1.reshape(1, 64), W2)

    q = _make_edge_agg(16)(h2s, srcr, dstr, jnp.zeros((RPT, 16), jnp.float32))

    out = pl.pallas_call(
        _post_body,
        grid=(_GRID,),
        in_specs=[
            _rows_spec(16), _rows_spec(16), _rows_spec(16), _rows_spec(1),
            _full_spec(1, 16),
        ],
        out_specs=_rows_spec(16),
        out_shape=jax.ShapeDtypeStruct((N, 16), jnp.float32),
    )(q[0, :N], q[1, :N], h2s, dinv, b2.reshape(1, 16))

    return out

# --- scband reference (transcript-rebuilt; emitter-appended) ---
"""Pipeline reference for scband-gcn-46402826666261 (READ-ONLY COPY).

The authoritative reference and input builder live on the scoring server;
editing this copy changes nothing except your own understanding.
"""

import jax, jax.numpy as jnp
import numpy as np

N_NODES = 100000
N_EDGES = 1600000
IN_CH = 8
HID = 64
OUT_CH = 16


def _gcn_conv(x, src, dst, W, b, num_nodes):
    # PyG GCNConv: add self-loops, symmetric normalization D^-1/2 (A+I) D^-1/2,
    # linear transform (no bias), scatter-add aggregation at dst, then add bias.
    loop = jnp.arange(num_nodes, dtype=src.dtype)
    s = jnp.concatenate([src, loop])
    d = jnp.concatenate([dst, loop])
    deg = jnp.zeros((num_nodes,), dtype=x.dtype).at[d].add(1.0)
    dinv = jnp.where(deg > 0, deg ** -0.5, 0.0)
    norm = dinv[s] * dinv[d]
    h = x @ W
    msg = h[s] * norm[:, None]
    out = jnp.zeros((num_nodes, W.shape[1]), dtype=x.dtype).at[d].add(msg)
    return out + b


def setup_inputs(seed: int = 0) -> dict:
    key = jax.random.key(seed)
    k1, k2, k3, k4, k5, k6 = jax.random.split(key, 6)
    x = jax.random.normal(k1, (N_NODES, IN_CH), dtype=jnp.float32)
    edge_index = jax.random.randint(k2, (2, N_EDGES), 0, N_NODES, dtype=jnp.int64)
    # Glorot-style init like PyG GCNConv
    W1 = jax.random.normal(k3, (IN_CH, HID), dtype=jnp.float32) * (2.0 / (IN_CH + HID)) ** 0.5
    b1 = jnp.zeros((HID,), dtype=jnp.float32)
    W2 = jax.random.normal(k4, (HID, OUT_CH), dtype=jnp.float32) * (2.0 / (HID + OUT_CH)) ** 0.5
    b2 = jnp.zeros((OUT_CH,), dtype=jnp.float32)
    return {"x": x, "edge_index": edge_index, "W1": W1, "b1": b1, "W2": W2, "b2": b2}


def reference(x, edge_index, W1, b1, W2, b2):
    src = edge_index[0]
    dst = edge_index[1]
    h = _gcn_conv(x, src, dst, W1, b1, N_NODES)
    h = jax.nn.relu(h)
    # F.dropout(p=0.5, training=self.training) -> identity in eval mode
    out = _gcn_conv(h, src, dst, W2, b2, N_NODES)
    return out

if __name__ == "__main__":
    import jax
    _d = setup_inputs()
    print(jax.jit(kernel)(*tuple(_d.values())))

</pallas_src>

<mosaic_0001>
#map = affine_map<(d0, d1) -> (0, 0)>
#map1 = affine_map<(d0, d1) -> (0, 0, 0)>
module attributes {stable_mosaic.version = 14 : i64} {
  func.func @agg(%arg0: i32, %arg1: i32, %arg2: memref<100000x16xf32, #tpu.memory_space<hbm>>, %arg3: memref<12800x128xi32, #tpu.memory_space<hbm>>, %arg4: memref<12800x128xi32, #tpu.memory_space<hbm>>, %arg5: memref<6400x16xf32, #tpu.memory_space<hbm>>, %arg6: memref<2x102400x16xf32, #tpu.memory_space<hbm>>, %arg7: memref<2x4x128xi32, #tpu.memory_space<vmem>>, %arg8: memref<4x128xi32, #tpu.memory_space<vmem>>, %arg9: memref<2x512x16xf32, #tpu.memory_space<vmem>>, %arg10: memref<102400x16xf32, #tpu.memory_space<vmem_shared>>, %arg11: memref<!tpu.dma_semaphore, #tpu.memory_space<semaphore_mem>>) attributes {dimension_semantics = [#tpu.dimension_semantics<core_parallel>, #tpu.dimension_semantics<subcore_parallel>], iteration_bounds = array<i64: 2, 16>, scalar_prefetch = 0 : i64, scratch_operands = 5 : i64, tpu.core_type = #tpu.core_type<sc_vector_subcore>, window_params = [{transform_indices = #map}, {transform_indices = #map}, {transform_indices = #map}, {transform_indices = #map}, {transform_indices = #map1}]} {
    %mul3A = arith.constant 2 : i32
    %mul3A_0 = arith.muli %arg1, %mul3A : i32
    %add3A = arith.addi %mul3A_0, %arg0 : i32
    %mul3A_1 = arith.constant 6400 : i32
    %mul3A_2 = arith.muli %arg1, %mul3A_1 : i32
    "tpu.region"() ({
      %run_scoped3A_43 = tpu.sem_alloc : memref<!tpu.dma_semaphore, #tpu.memory_space<semaphore_mem>>
      %dma_start3A = arith.constant 0 : i32
      %dma_start3A_44 = tpu.memref_slice %arg10[%mul3A_2, %dma_start3A] : memref<102400x16xf32, #tpu.memory_space<vmem_shared>> -> memref<6400x16xf32, #tpu.memory_space<vmem_shared>>
      tpu.enqueue_dma source(%arg5 : memref<6400x16xf32, #tpu.memory_space<hbm>>) target(%dma_start3A_44 : memref<6400x16xf32, #tpu.memory_space<vmem_shared>>) target_semaphore(%run_scoped3A_43 : memref<!tpu.dma_semaphore, #tpu.memory_space<semaphore_mem>>)
      %dma_wait3A_45 = arith.constant 0 : i32
      %dma_wait3A_46 = tpu.memref_slice %arg10[%mul3A_2, %dma_wait3A_45] : memref<102400x16xf32, #tpu.memory_space<vmem_shared>> -> memref<6400x16xf32, #tpu.memory_space<vmem_shared>>
      tpu.wait_dma2 semaphore(%run_scoped3A_43 : memref<!tpu.dma_semaphore, #tpu.memory_space<semaphore_mem>>) src(%arg5 : memref<6400x16xf32, #tpu.memory_space<hbm>>) dst(%dma_wait3A_46 : memref<6400x16xf32, #tpu.memory_space<vmem_shared>>)
      tpu.yield
    }) : () -> ()
    %barrier3A = arith.constant 0 : index
    tpu.barrier barrier_id(%barrier3A)
    %mul3A_3 = arith.constant 400 : i32
    %mul3A_4 = arith.muli %add3A, %mul3A_3 : i32
    %add3A_5 = arith.constant 0 : i32
    %add3A_6 = arith.addi %mul3A_4, %add3A_5 : i32
    %run_scoped3A = arith.constant 0 : i32
    "tpu.region"() ({
      %run_scoped3A_43 = tpu.sem_alloc : memref<!tpu.dma_semaphore, #tpu.memory_space<semaphore_mem>>
      %dma_start3A = arith.constant 0 : i32
      %dma_start3A_44 = arith.constant 0 : i32
      %dma_start3A_45 = tpu.memref_slice %arg7[%run_scoped3A, %dma_start3A, %dma_start3A_44] : memref<2x4x128xi32, #tpu.memory_space<vmem>> -> memref<1x4x128xi32, #tpu.memory_space<vmem>>
      %dma_start3A_46 = tpu.memref_squeeze %dma_start3A_45 : memref<1x4x128xi32, #tpu.memory_space<vmem>> -> memref<4x128xi32, #tpu.memory_space<vmem>>
      %dma_start3A_47 = arith.constant 0 : i32
      %dma_start3A_48 = tpu.memref_slice %arg3[%add3A_6, %dma_start3A_47] : memref<12800x128xi32, #tpu.memory_space<hbm>> -> memref<4x128xi32, #tpu.memory_space<hbm>>
      %dma_start3A_49 = arith.constant 0 : i32
      %dma_start3A_50 = arith.constant 0 : i32
      %dma_start3A_51 = tpu.memref_slice %arg7[%run_scoped3A, %dma_start3A_49, %dma_start3A_50] : memref<2x4x128xi32, #tpu.memory_space<vmem>> -> memref<1x4x128xi32, #tpu.memory_space<vmem>>
      %dma_start3A_52 = tpu.memref_squeeze %dma_start3A_51 : memref<1x4x128xi32, #tpu.memory_space<vmem>> -> memref<4x128xi32, #tpu.memory_space<vmem>>
      %dma_start3A_53 = arith.constant 0 : i32
      %dma_start3A_54 = tpu.memref_slice %arg3[%add3A_6, %dma_start3A_53] : memref<12800x128xi32, #tpu.memory_space<hbm>> -> memref<4x128xi32, #tpu.memory_space<hbm>>
      tpu.enqueue_dma source(%dma_start3A_54 : memref<4x128xi32, #tpu.memory_space<hbm>>) target(%dma_start3A_52 : memref<4x128xi32, #tpu.memory_space<vmem>>) target_semaphore(%run_scoped3A_43 : memref<!tpu.dma_semaphore, #tpu.memory_space<semaphore_mem>>)
      %dma_wait3A_55 = arith.constant 0 : i32
      %dma_wait3A_56 = arith.constant 0 : i32
      %dma_wait3A_57 = tpu.memref_slice %arg7[%run_scoped3A, %dma_wait3A_55, %dma_wait3A_56] : memref<2x4x128xi32, #tpu.memory_space<vmem>> -> memref<1x4x128xi32, #tpu.memory_space<vmem>>
      %dma_wait3A_58 = tpu.memref_squeeze %dma_wait3A_57 : memref<1x4x128xi32, #tpu.memory_space<vmem>> -> memref<4x128xi32, #tpu.memory_space<vmem>>
      %dma_wait3A_59 = arith.constant 0 : i32
      %dma_wait3A_60 = tpu.memref_slice %arg3[%add3A_6, %dma_wait3A_59] : memref<12800x128xi32, #tpu.memory_space<hbm>> -> memref<4x128xi32, #tpu.memory_space<hbm>>
      %dma_wait3A_61 = arith.constant 0 : i32
      %dma_wait3A_62 = arith.constant 0 : i32
      %dma_wait3A_63 = tpu.memref_slice %arg7[%run_scoped3A, %dma_wait3A_61, %dma_wait3A_62] : memref<2x4x128xi32, #tpu.memory_space<vmem>> -> memref<1x4x128xi32, #tpu.memory_space<vmem>>
      %dma_wait3A_64 = tpu.memref_squeeze %dma_wait3A_63 : memref<1x4x128xi32, #tpu.memory_space<vmem>> -> memref<4x128xi32, #tpu.memory_space<vmem>>
      %dma_wait3A_65 = arith.constant 0 : i32
      %dma_wait3A_66 = tpu.memref_slice %arg3[%add3A_6, %dma_wait3A_65] : memref<12800x128xi32, #tpu.memory_space<hbm>> -> memref<4x128xi32, #tpu.memory_space<hbm>>
      tpu.wait_dma2 semaphore(%run_scoped3A_43 : memref<!tpu.dma_semaphore, #tpu.memory_space<semaphore_mem>>) src(%dma_wait3A_66 : memref<4x128xi32, #tpu.memory_space<hbm>>) dst(%dma_wait3A_64 : memref<4x128xi32, #tpu.memory_space<vmem>>)
      tpu.yield
    }) : () -> ()
    %scan3A = arith.constant 0 : i32
    %scan3A_7 = arith.constant 0 : i32
    %scan3A_8 = arith.constant 4 : i32
    %scan3A_9 = arith.addi %scan3A_7, %scan3A_8 : i32
    %scan3A_10 = arith.constant 1 : i32
    scf.for %scan3A_43 = %scan3A_7 to %scan3A_9 step %scan3A_10  : i32 {
      %mul3A_44 = arith.constant 128 : i32
      %mul3A_45 = arith.muli %scan3A_43, %mul3A_44 : i32
      %dma_start3A = arith.constant 0 : i32
      %dma_start3A_46 = arith.constant 0 : i32
      %dma_start3A_47 = arith.constant 0 : i32
      %dma_start3A_48 = tpu.memref_slice %arg9[%dma_start3A_46, %mul3A_45, %dma_start3A_47] : memref<2x512x16xf32, #tpu.memory_space<vmem>> -> memref<1x128x16xf32, #tpu.memory_space<vmem>>
      %dma_start3A_49 = tpu.memref_squeeze %dma_start3A_48 : memref<1x128x16xf32, #tpu.memory_space<vmem>> -> memref<128x16xf32, #tpu.memory_space<vmem>>
      %dma_start3A_50 = arith.constant 0 : i32
      %dma_start3A_51 = tpu.memref_slice %arg7[%dma_start3A, %scan3A_43, %dma_start3A_50] : memref<2x4x128xi32, #tpu.memory_space<vmem>> -> memref<1x1x128xi32, #tpu.memory_space<vmem>>
      %dma_start3A_52 = tpu.memref_squeeze %dma_start3A_51 : memref<1x1x128xi32, #tpu.memory_space<vmem>> -> memref<128xi32, #tpu.memory_space<vmem>>
      %dma_start3A_53 = arith.constant 0 : i32
      %dma_start3A_54 = arith.constant 0 : i32
      %dma_start3A_55 = tpu.memref_slice %arg2[%dma_start3A_53, %dma_start3A_54] : memref<100000x16xf32, #tpu.memory_space<hbm>> -> memref<100000x16xf32, #tpu.memory_space<hbm>>
      tpu.enqueue_indirect_dma source(%dma_start3A_55 : memref<100000x16xf32, #tpu.memory_space<hbm>>) target(%dma_start3A_49 : memref<128x16xf32, #tpu.memory_space<vmem>>) offsets(%dma_start3A_52 : memref<128xi32, #tpu.memory_space<vmem>>) semaphore(%arg11 : memref<!tpu.dma_semaphore, #tpu.memory_space<semaphore_mem>>)
    }
    %scan3A_11 = arith.constant 4 : i32
    %scan3A_12 = arith.constant 0 : i32
    %scan3A_13 = arith.constant 1 : i32
    %scan3A_14 = arith.constant 99 : i32
    %scan3A_15 = arith.addi %scan3A_13, %scan3A_14 : i32
    %scan3A_16 = arith.constant 1 : i32
    scf.for %scan3A_43 = %scan3A_13 to %scan3A_15 step %scan3A_16  : i32 {
      %rem3A = arith.constant 2 : i32
      %rem3A_44 = arith.remsi %scan3A_43, %rem3A : i32
      %mul3A_45 = arith.constant 400 : i32
      %mul3A_46 = arith.muli %add3A, %mul3A_45 : i32
      %mul3A_47 = arith.constant 4 : i32
      %mul3A_48 = arith.muli %scan3A_43, %mul3A_47 : i32
      %add3A_49 = arith.addi %mul3A_46, %mul3A_48 : i32
      "tpu.region"() ({
        %run_scoped3A_84 = tpu.sem_alloc : memref<!tpu.dma_semaphore, #tpu.memory_space<semaphore_mem>>
        %dma_start3A = arith.constant 0 : i32
        %dma_start3A_85 = arith.constant 0 : i32
        %dma_start3A_86 = tpu.memref_slice %arg7[%rem3A_44, %dma_start3A, %dma_start3A_85] : memref<2x4x128xi32, #tpu.memory_space<vmem>> -> memref<1x4x128xi32, #tpu.memory_space<vmem>>
        %dma_start3A_87 = tpu.memref_squeeze %dma_start3A_86 : memref<1x4x128xi32, #tpu.memory_space<vmem>> -> memref<4x128xi32, #tpu.memory_space<vmem>>
        %dma_start3A_88 = arith.constant 0 : i32
        %dma_start3A_89 = tpu.memref_slice %arg3[%add3A_49, %dma_start3A_88] : memref<12800x128xi32, #tpu.memory_space<hbm>> -> memref<4x128xi32, #tpu.memory_space<hbm>>
        %dma_start3A_90 = arith.constant 0 : i32
        %dma_start3A_91 = arith.constant 0 : i32
        %dma_start3A_92 = tpu.memref_slice %arg7[%rem3A_44, %dma_start3A_90, %dma_start3A_91] : memref<2x4x128xi32, #tpu.memory_space<vmem>> -> memref<1x4x128xi32, #tpu.memory_space<vmem>>
        %dma_start3A_93 = tpu.memref_squeeze %dma_start3A_92 : memref<1x4x128xi32, #tpu.memory_space<vmem>> -> memref<4x128xi32, #tpu.memory_space<vmem>>
        %dma_start3A_94 = arith.constant 0 : i32
        %dma_start3A_95 = tpu.memref_slice %arg3[%add3A_49, %dma_start3A_94] : memref<12800x128xi32, #tpu.memory_space<hbm>> -> memref<4x128xi32, #tpu.memory_space<hbm>>
        tpu.enqueue_dma source(%dma_start3A_95 : memref<4x128xi32, #tpu.memory_space<hbm>>) target(%dma_start3A_93 : memref<4x128xi32, #tpu.memory_space<vmem>>) target_semaphore(%run_scoped3A_84 : memref<!tpu.dma_semaphore, #tpu.memory_space<semaphore_mem>>)
        %dma_wait3A_96 = arith.constant 0 : i32
        %dma_wait3A_97 = arith.constant 0 : i32
        %dma_wait3A_98 = tpu.memref_slice %arg7[%rem3A_44, %dma_wait3A_96, %dma_wait3A_97] : memref<2x4x128xi32, #tpu.memory_space<vmem>> -> memref<1x4x128xi32, #tpu.memory_space<vmem>>
        %dma_wait3A_99 = tpu.memref_squeeze %dma_wait3A_98 : memref<1x4x128xi32, #tpu.memory_space<vmem>> -> memref<4x128xi32, #tpu.memory_space<vmem>>
        %dma_wait3A_100 = arith.constant 0 : i32
        %dma_wait3A_101 = tpu.memref_slice %arg3[%add3A_49, %dma_wait3A_100] : memref<12800x128xi32, #tpu.memory_space<hbm>> -> memref<4x128xi32, #tpu.memory_space<hbm>>
        %dma_wait3A_102 = arith.constant 0 : i32
        %dma_wait3A_103 = arith.constant 0 : i32
        %dma_wait3A_104 = tpu.memref_slice %arg7[%rem3A_44, %dma_wait3A_102, %dma_wait3A_103] : memref<2x4x128xi32, #tpu.memory_space<vmem>> -> memref<1x4x128xi32, #tpu.memory_space<vmem>>
        %dma_wait3A_105 = tpu.memref_squeeze %dma_wait3A_104 : memref<1x4x128xi32, #tpu.memory_space<vmem>> -> memref<4x128xi32, #tpu.memory_space<vmem>>
        %dma_wait3A_106 = arith.constant 0 : i32
        %dma_wait3A_107 = tpu.memref_slice %arg3[%add3A_49, %dma_wait3A_106] : memref<12800x128xi32, #tpu.memory_space<hbm>> -> memref<4x128xi32, #tpu.memory_space<hbm>>
        tpu.wait_dma2 semaphore(%run_scoped3A_84 : memref<!tpu.dma_semaphore, #tpu.memory_space<semaphore_mem>>) src(%dma_wait3A_107 : memref<4x128xi32, #tpu.memory_space<hbm>>) dst(%dma_wait3A_105 : memref<4x128xi32, #tpu.memory_space<vmem>>)
        tpu.yield
      }) : () -> ()
      %scan3A_50 = arith.constant 0 : i32
      %scan3A_51 = arith.constant 0 : i32
      %scan3A_52 = arith.constant 4 : i32
      %scan3A_53 = arith.addi %scan3A_51, %scan3A_52 : i32
      %scan3A_54 = arith.constant 1 : i32
      scf.for %scan3A_84 = %scan3A_51 to %scan3A_53 step %scan3A_54  : i32 {
        %mul3A_85 = arith.constant 128 : i32
        %mul3A_86 = arith.muli %scan3A_84, %mul3A_85 : i32
        %dma_start3A = arith.constant 0 : i32
        %dma_start3A_87 = tpu.memref_slice %arg9[%rem3A_44, %mul3A_86, %dma_start3A] : memref<2x512x16xf32, #tpu.memory_space<vmem>> -> memref<1x128x16xf32, #tpu.memory_space<vmem>>
        %dma_start3A_88 = tpu.memref_squeeze %dma_start3A_87 : memref<1x128x16xf32, #tpu.memory_space<vmem>> -> memref<128x16xf32, #tpu.memory_space<vmem>>
        %dma_start3A_89 = arith.constant 0 : i32
        %dma_start3A_90 = tpu.memref_slice %arg7[%rem3A_44, %scan3A_84, %dma_start3A_89] : memref<2x4x128xi32, #tpu.memory_space<vmem>> -> memref<1x1x128xi32, #tpu.memory_space<vmem>>
        %dma_start3A_91 = tpu.memref_squeeze %dma_start3A_90 : memref<1x1x128xi32, #tpu.memory_space<vmem>> -> memref<128xi32, #tpu.memory_space<vmem>>
        %dma_start3A_92 = arith.constant 0 : i32
        %dma_start3A_93 = arith.constant 0 : i32
        %dma_start3A_94 = tpu.memref_slice %arg2[%dma_start3A_92, %dma_start3A_93] : memref<100000x16xf32, #tpu.memory_space<hbm>> -> memref<100000x16xf32, #tpu.memory_space<hbm>>
        tpu.enqueue_indirect_dma source(%dma_start3A_94 : memref<100000x16xf32, #tpu.memory_space<hbm>>) target(%dma_start3A_88 : memref<128x16xf32, #tpu.memory_space<vmem>>) offsets(%dma_start3A_91 : memref<128xi32, #tpu.memory_space<vmem>>) semaphore(%arg11 : memref<!tpu.dma_semaphore, #tpu.memory_space<semaphore_mem>>)
      }
      %scan3A_55 = arith.constant 4 : i32
      %sub3A = arith.constant 1 : i32
      %sub3A_56 = arith.subi %scan3A_43, %sub3A : i32
      %sub3A_57 = arith.constant 1 : i32
      %sub3A_58 = arith.subi %sub3A_57, %rem3A_44 : i32
      %mul3A_59 = arith.constant 400 : i32
      %mul3A_60 = arith.muli %add3A, %mul3A_59 : i32
      %mul3A_61 = arith.constant 4 : i32
      %mul3A_62 = arith.muli %sub3A_56, %mul3A_61 : i32
      %add3A_63 = arith.addi %mul3A_60, %mul3A_62 : i32
      "tpu.region"() ({
        %run_scoped3A_84 = tpu.sem_alloc : memref<!tpu.dma_semaphore, #tpu.memory_space<semaphore_mem>>
        %dma_start3A = arith.constant 0 : i32
        %dma_start3A_85 = tpu.memref_slice %arg4[%add3A_63, %dma_start3A] : memref<12800x128xi32, #tpu.memory_space<hbm>> -> memref<4x128xi32, #tpu.memory_space<hbm>>
        %dma_start3A_86 = arith.constant 0 : i32
        %dma_start3A_87 = tpu.memref_slice %arg4[%add3A_63, %dma_start3A_86] : memref<12800x128xi32, #tpu.memory_space<hbm>> -> memref<4x128xi32, #tpu.memory_space<hbm>>
        tpu.enqueue_dma source(%dma_start3A_87 : memref<4x128xi32, #tpu.memory_space<hbm>>) target(%arg8 : memref<4x128xi32, #tpu.memory_space<vmem>>) target_semaphore(%run_scoped3A_84 : memref<!tpu.dma_semaphore, #tpu.memory_space<semaphore_mem>>)
        %dma_wait3A_88 = arith.constant 0 : i32
        %dma_wait3A_89 = tpu.memref_slice %arg4[%add3A_63, %dma_wait3A_88] : memref<12800x128xi32, #tpu.memory_space<hbm>> -> memref<4x128xi32, #tpu.memory_space<hbm>>
        %dma_wait3A_90 = arith.constant 0 : i32
        %dma_wait3A_91 = tpu.memref_slice %arg4[%add3A_63, %dma_wait3A_90] : memref<12800x128xi32, #tpu.memory_space<hbm>> -> memref<4x128xi32, #tpu.memory_space<hbm>>
        tpu.wait_dma2 semaphore(%run_scoped3A_84 : memref<!tpu.dma_semaphore, #tpu.memory_space<semaphore_mem>>) src(%dma_wait3A_91 : memref<4x128xi32, #tpu.memory_space<hbm>>) dst(%arg8 : memref<4x128xi32, #tpu.memory_space<vmem>>)
        tpu.yield
      }) : () -> ()
      %dma_wait3A_64 = arith.constant 0 : i32
      %dma_wait3A_65 = arith.constant 0 : i32
      %dma_wait3A_66 = tpu.memref_slice %arg9[%sub3A_58, %dma_wait3A_64, %dma_wait3A_65] : memref<2x512x16xf32, #tpu.memory_space<vmem>> -> memref<1x512x16xf32, #tpu.memory_space<vmem>>
      %dma_wait3A_67 = tpu.memref_squeeze %dma_wait3A_66 : memref<1x512x16xf32, #tpu.memory_space<vmem>> -> memref<512x16xf32, #tpu.memory_space<vmem>>
      %dma_wait3A_68 = arith.constant 0 : i32
      %dma_wait3A_69 = arith.constant 0 : i32
      %dma_wait3A_70 = tpu.memref_slice %arg5[%dma_wait3A_68, %dma_wait3A_69] : memref<6400x16xf32, #tpu.memory_space<hbm>> -> memref<512x16xf32, #tpu.memory_space<hbm>>
      %dma_wait3A_71 = arith.constant 0 : i32
      %dma_wait3A_72 = arith.constant 0 : i32
      %dma_wait3A_73 = tpu.memref_slice %arg9[%sub3A_58, %dma_wait3A_71, %dma_wait3A_72] : memref<2x512x16xf32, #tpu.memory_space<vmem>> -> memref<1x512x16xf32, #tpu.memory_space<vmem>>
      %dma_wait3A_74 = tpu.memref_squeeze %dma_wait3A_73 : memref<1x512x16xf32, #tpu.memory_space<vmem>> -> memref<512x16xf32, #tpu.memory_space<vmem>>
      %dma_wait3A_75 = arith.constant 0 : i32
      %dma_wait3A_76 = arith.constant 0 : i32
      %dma_wait3A_77 = tpu.memref_slice %arg5[%dma_wait3A_75, %dma_wait3A_76] : memref<6400x16xf32, #tpu.memory_space<hbm>> -> memref<512x16xf32, #tpu.memory_space<hbm>>
      tpu.wait_dma2 semaphore(%arg11 : memref<!tpu.dma_semaphore, #tpu.memory_space<semaphore_mem>>) src(%dma_wait3A_77 : memref<512x16xf32, #tpu.memory_space<hbm>>) dst(%dma_wait3A_74 : memref<512x16xf32, #tpu.memory_space<vmem>>)
      %scan3A_78 = arith.constant 0 : i32
      %scan3A_79 = arith.constant 0 : i32
      %scan3A_80 = arith.constant 4 : i32
      %scan3A_81 = arith.addi %scan3A_79, %scan3A_80 : i32
      %scan3A_82 = arith.constant 1 : i32
      scf.for %scan3A_84 = %scan3A_79 to %scan3A_81 step %scan3A_82  : i32 {
        %mul3A_85 = arith.constant 128 : i32
        %mul3A_86 = arith.muli %scan3A_84, %mul3A_85 : i32
        "tpu.region"() ({
          %run_scoped3A_87 = tpu.sem_alloc : memref<!tpu.dma_semaphore, #tpu.memory_space<semaphore_mem>>
          %dma_start3A = arith.constant 0 : i32
          %dma_start3A_88 = tpu.memref_slice %arg9[%sub3A_58, %mul3A_86, %dma_start3A] : memref<2x512x16xf32, #tpu.memory_space<vmem>> -> memref<1x128x16xf32, #tpu.memory_space<vmem>>
          %dma_start3A_89 = tpu.memref_squeeze %dma_start3A_88 : memref<1x128x16xf32, #tpu.memory_space<vmem>> -> memref<128x16xf32, #tpu.memory_space<vmem>>
          %dma_start3A_90 = arith.constant 0 : i32
          %dma_start3A_91 = tpu.memref_slice %arg8[%scan3A_84, %dma_start3A_90] : memref<4x128xi32, #tpu.memory_space<vmem>> -> memref<1x128xi32, #tpu.memory_space<vmem>>
          %dma_start3A_92 = tpu.memref_squeeze %dma_start3A_91 : memref<1x128xi32, #tpu.memory_space<vmem>> -> memref<128xi32, #tpu.memory_space<vmem>>
          %dma_start3A_93 = arith.constant 0 : i32
          %dma_start3A_94 = arith.constant 0 : i32
          %dma_start3A_95 = tpu.memref_slice %arg10[%dma_start3A_93, %dma_start3A_94] : memref<102400x16xf32, #tpu.memory_space<vmem_shared>> -> memref<102400x16xf32, #tpu.memory_space<vmem_shared>>
          tpu.enqueue_indirect_dma source(%dma_start3A_89 : memref<128x16xf32, #tpu.memory_space<vmem>>) target(%dma_start3A_95 : memref<102400x16xf32, #tpu.memory_space<vmem_shared>>) offsets(%dma_start3A_92 : memref<128xi32, #tpu.memory_space<vmem>>) semaphore(%run_scoped3A_87 : memref<!tpu.dma_semaphore, #tpu.memory_space<semaphore_mem>>) {add = true}
          %dma_wait3A_96 = arith.constant 0 : i32
          %dma_wait3A_97 = tpu.memref_slice %arg9[%sub3A_58, %mul3A_86, %dma_wait3A_96] : memref<2x512x16xf32, #tpu.memory_space<vmem>> -> memref<1x128x16xf32, #tpu.memory_space<vmem>>
          %dma_wait3A_98 = tpu.memref_squeeze %dma_wait3A_97 : memref<1x128x16xf32, #tpu.memory_space<vmem>> -> memref<128x16xf32, #tpu.memory_space<vmem>>
          %dma_wait3A_99 = arith.constant 0 : i32
          %dma_wait3A_100 = tpu.memref_slice %arg8[%scan3A_84, %dma_wait3A_99] : memref<4x128xi32, #tpu.memory_space<vmem>> -> memref<1x128xi32, #tpu.memory_space<vmem>>
          %dma_wait3A_101 = tpu.memref_squeeze %dma_wait3A_100 : memref<1x128xi32, #tpu.memory_space<vmem>> -> memref<128xi32, #tpu.memory_space<vmem>>
          %dma_wait3A_102 = arith.constant 0 : i32
          %dma_wait3A_103 = arith.constant 0 : i32
          %dma_wait3A_104 = tpu.memref_slice %arg10[%dma_wait3A_102, %dma_wait3A_103] : memref<102400x16xf32, #tpu.memory_space<vmem_shared>> -> memref<102400x16xf32, #tpu.memory_space<vmem_shared>>
          tpu.wait_indirect_dma semaphore(%run_scoped3A_87 : memref<!tpu.dma_semaphore, #tpu.memory_space<semaphore_mem>>) src(%dma_wait3A_98 : memref<128x16xf32, #tpu.memory_space<vmem>>) dst(%dma_wait3A_104 : memref<102400x16xf32, #tpu.memory_space<vmem_shared>>)
          tpu.yield
        }) : () -> ()
      }
      %scan3A_83 = arith.constant 4 : i32
    }
    %scan3A_17 = arith.constant 99 : i32
    %mul3A_18 = arith.constant 400 : i32
    %mul3A_19 = arith.muli %add3A, %mul3A_18 : i32
    %add3A_20 = arith.constant 396 : i32
    %add3A_21 = arith.addi %mul3A_19, %add3A_20 : i32
    "tpu.region"() ({
      %run_scoped3A_43 = tpu.sem_alloc : memref<!tpu.dma_semaphore, #tpu.memory_space<semaphore_mem>>
      %dma_start3A = arith.constant 0 : i32
      %dma_start3A_44 = tpu.memref_slice %arg4[%add3A_21, %dma_start3A] : memref<12800x128xi32, #tpu.memory_space<hbm>> -> memref<4x128xi32, #tpu.memory_space<hbm>>
      %dma_start3A_45 = arith.constant 0 : i32
      %dma_start3A_46 = tpu.memref_slice %arg4[%add3A_21, %dma_start3A_45] : memref<12800x128xi32, #tpu.memory_space<hbm>> -> memref<4x128xi32, #tpu.memory_space<hbm>>
      tpu.enqueue_dma source(%dma_start3A_46 : memref<4x128xi32, #tpu.memory_space<hbm>>) target(%arg8 : memref<4x128xi32, #tpu.memory_space<vmem>>) target_semaphore(%run_scoped3A_43 : memref<!tpu.dma_semaphore, #tpu.memory_space<semaphore_mem>>)
      %dma_wait3A_47 = arith.constant 0 : i32
      %dma_wait3A_48 = tpu.memref_slice %arg4[%add3A_21, %dma_wait3A_47] : memref<12800x128xi32, #tpu.memory_space<hbm>> -> memref<4x128xi32, #tpu.memory_space<hbm>>
      %dma_wait3A_49 = arith.constant 0 : i32
      %dma_wait3A_50 = tpu.memref_slice %arg4[%add3A_21, %dma_wait3A_49] : memref<12800x128xi32, #tpu.memory_space<hbm>> -> memref<4x128xi32, #tpu.memory_space<hbm>>
      tpu.wait_dma2 semaphore(%run_scoped3A_43 : memref<!tpu.dma_semaphore, #tpu.memory_space<semaphore_mem>>) src(%dma_wait3A_50 : memref<4x128xi32, #tpu.memory_space<hbm>>) dst(%arg8 : memref<4x128xi32, #tpu.memory_space<vmem>>)
      tpu.yield
    }) : () -> ()
    %dma_wait3A = arith.constant 1 : i32
    %dma_wait3A_22 = arith.constant 0 : i32
    %dma_wait3A_23 = arith.constant 0 : i32
    %dma_wait3A_24 = tpu.memref_slice %arg9[%dma_wait3A, %dma_wait3A_22, %dma_wait3A_23] : memref<2x512x16xf32, #tpu.memory_space<vmem>> -> memref<1x512x16xf32, #tpu.memory_space<vmem>>
    %dma_wait3A_25 = tpu.memref_squeeze %dma_wait3A_24 : memref<1x512x16xf32, #tpu.memory_space<vmem>> -> memref<512x16xf32, #tpu.memory_space<vmem>>
    %dma_wait3A_26 = arith.constant 0 : i32
    %dma_wait3A_27 = arith.constant 0 : i32
    %dma_wait3A_28 = tpu.memref_slice %arg5[%dma_wait3A_26, %dma_wait3A_27] : memref<6400x16xf32, #tpu.memory_space<hbm>> -> memref<512x16xf32, #tpu.memory_space<hbm>>
    %dma_wait3A_29 = arith.constant 0 : i32
    %dma_wait3A_30 = arith.constant 0 : i32
    %dma_wait3A_31 = tpu.memref_slice %arg9[%dma_wait3A, %dma_wait3A_29, %dma_wait3A_30] : memref<2x512x16xf32, #tpu.memory_space<vmem>> -> memref<1x512x16xf32, #tpu.memory_space<vmem>>
    %dma_wait3A_32 = tpu.memref_squeeze %dma_wait3A_31 : memref<1x512x16xf32, #tpu.memory_space<vmem>> -> memref<512x16xf32, #tpu.memory_space<vmem>>
    %dma_wait3A_33 = arith.constant 0 : i32
    %dma_wait3A_34 = arith.constant 0 : i32
    %dma_wait3A_35 = tpu.memref_slice %arg5[%dma_wait3A_33, %dma_wait3A_34] : memref<6400x16xf32, #tpu.memory_space<hbm>> -> memref<512x16xf32, #tpu.memory_space<hbm>>
    tpu.wait_dma2 semaphore(%arg11 : memref<!tpu.dma_semaphore, #tpu.memory_space<semaphore_mem>>) src(%dma_wait3A_35 : memref<512x16xf32, #tpu.memory_space<hbm>>) dst(%dma_wait3A_32 : memref<512x16xf32, #tpu.memory_space<vmem>>)
    %scan3A_36 = arith.constant 0 : i32
    %scan3A_37 = arith.constant 0 : i32
    %scan3A_38 = arith.constant 4 : i32
    %scan3A_39 = arith.addi %scan3A_37, %scan3A_38 : i32
    %scan3A_40 = arith.constant 1 : i32
    scf.for %scan3A_43 = %scan3A_37 to %scan3A_39 step %scan3A_40  : i32 {
      %mul3A_44 = arith.constant 128 : i32
      %mul3A_45 = arith.muli %scan3A_43, %mul3A_44 : i32
      %run_scoped3A_46 = arith.constant 1 : i32
      "tpu.region"() ({
        %run_scoped3A_47 = tpu.sem_alloc : memref<!tpu.dma_semaphore, #tpu.memory_space<semaphore_mem>>
        %dma_start3A = arith.constant 0 : i32
        %dma_start3A_48 = tpu.memref_slice %arg9[%run_scoped3A_46, %mul3A_45, %dma_start3A] : memref<2x512x16xf32, #tpu.memory_space<vmem>> -> memref<1x128x16xf32, #tpu.memory_space<vmem>>
        %dma_start3A_49 = tpu.memref_squeeze %dma_start3A_48 : memref<1x128x16xf32, #tpu.memory_space<vmem>> -> memref<128x16xf32, #tpu.memory_space<vmem>>
        %dma_start3A_50 = arith.constant 0 : i32
        %dma_start3A_51 = tpu.memref_slice %arg8[%scan3A_43, %dma_start3A_50] : memref<4x128xi32, #tpu.memory_space<vmem>> -> memref<1x128xi32, #tpu.memory_space<vmem>>
        %dma_start3A_52 = tpu.memref_squeeze %dma_start3A_51 : memref<1x128xi32, #tpu.memory_space<vmem>> -> memref<128xi32, #tpu.memory_space<vmem>>
        %dma_start3A_53 = arith.constant 0 : i32
        %dma_start3A_54 = arith.constant 0 : i32
        %dma_start3A_55 = tpu.memref_slice %arg10[%dma_start3A_53, %dma_start3A_54] : memref<102400x16xf32, #tpu.memory_space<vmem_shared>> -> memref<102400x16xf32, #tpu.memory_space<vmem_shared>>
        tpu.enqueue_indirect_dma source(%dma_start3A_49 : memref<128x16xf32, #tpu.memory_space<vmem>>) target(%dma_start3A_55 : memref<102400x16xf32, #tpu.memory_space<vmem_shared>>) offsets(%dma_start3A_52 : memref<128xi32, #tpu.memory_space<vmem>>) semaphore(%run_scoped3A_47 : memref<!tpu.dma_semaphore, #tpu.memory_space<semaphore_mem>>) {add = true}
        %dma_wait3A_56 = arith.constant 0 : i32
        %dma_wait3A_57 = tpu.memref_slice %arg9[%run_scoped3A_46, %mul3A_45, %dma_wait3A_56] : memref<2x512x16xf32, #tpu.memory_space<vmem>> -> memref<1x128x16xf32, #tpu.memory_space<vmem>>
        %dma_wait3A_58 = tpu.memref_squeeze %dma_wait3A_57 : memref<1x128x16xf32, #tpu.memory_space<vmem>> -> memref<128x16xf32, #tpu.memory_space<vmem>>
        %dma_wait3A_59 = arith.constant 0 : i32
        %dma_wait3A_60 = tpu.memref_slice %arg8[%scan3A_43, %dma_wait3A_59] : memref<4x128xi32, #tpu.memory_space<vmem>> -> memref<1x128xi32, #tpu.memory_space<vmem>>
        %dma_wait3A_61 = tpu.memref_squeeze %dma_wait3A_60 : memref<1x128xi32, #tpu.memory_space<vmem>> -> memref<128xi32, #tpu.memory_space<vmem>>
        %dma_wait3A_62 = arith.constant 0 : i32
        %dma_wait3A_63 = arith.constant 0 : i32
        %dma_wait3A_64 = tpu.memref_slice %arg10[%dma_wait3A_62, %dma_wait3A_63] : memref<102400x16xf32, #tpu.memory_space<vmem_shared>> -> memref<102400x16xf32, #tpu.memory_space<vmem_shared>>
        tpu.wait_indirect_dma semaphore(%run_scoped3A_47 : memref<!tpu.dma_semaphore, #tpu.memory_space<semaphore_mem>>) src(%dma_wait3A_58 : memref<128x16xf32, #tpu.memory_space<vmem>>) dst(%dma_wait3A_64 : memref<102400x16xf32, #tpu.memory_space<vmem_shared>>)
        tpu.yield
      }) : () -> ()
    }
    %scan3A_41 = arith.constant 4 : i32
    %barrier3A_42 = arith.constant 0 : index
    tpu.barrier barrier_id(%barrier3A_42)
    "tpu.region"() ({
      %run_scoped3A_43 = tpu.sem_alloc : memref<!tpu.dma_semaphore, #tpu.memory_space<semaphore_mem>>
      %dma_start3A = arith.constant 0 : i32
      %dma_start3A_44 = tpu.memref_slice %arg6[%arg0, %mul3A_2, %dma_start3A] : memref<2x102400x16xf32, #tpu.memory_space<hbm>> -> memref<1x6400x16xf32, #tpu.memory_space<hbm>>
      %dma_start3A_45 = tpu.memref_squeeze %dma_start3A_44 : memref<1x6400x16xf32, #tpu.memory_space<hbm>> -> memref<6400x16xf32, #tpu.memory_space<hbm>>
      %dma_start3A_46 = arith.constant 0 : i32
      %dma_start3A_47 = tpu.memref_slice %arg10[%mul3A_2, %dma_start3A_46] : memref<102400x16xf32, #tpu.memory_space<vmem_shared>> -> memref<6400x16xf32, #tpu.memory_space<vmem_shared>>
      tpu.enqueue_dma source(%dma_start3A_47 : memref<6400x16xf32, #tpu.memory_space<vmem_shared>>) target(%dma_start3A_45 : memref<6400x16xf32, #tpu.memory_space<hbm>>) target_semaphore(%run_scoped3A_43 : memref<!tpu.dma_semaphore, #tpu.memory_space<semaphore_mem>>)
      %dma_wait3A_48 = arith.constant 0 : i32
      %dma_wait3A_49 = tpu.memref_slice %arg6[%arg0, %mul3A_2, %dma_wait3A_48] : memref<2x102400x16xf32, #tpu.memory_space<hbm>> -> memref<1x6400x16xf32, #tpu.memory_space<hbm>>
      %dma_wait3A_50 = tpu.memref_squeeze %dma_wait3A_49 : memref<1x6400x16xf32, #tpu.memory_space<hbm>> -> memref<6400x16xf32, #tpu.memory_space<hbm>>
      %dma_wait3A_51 = arith.constant 0 : i32
      %dma_wait3A_52 = tpu.memref_slice %arg10[%mul3A_2, %dma_wait3A_51] : memref<102400x16xf32, #tpu.memory_space<vmem_shared>> -> memref<6400x16xf32, #tpu.memory_space<vmem_shared>>
      tpu.wait_dma2 semaphore(%run_scoped3A_43 : memref<!tpu.dma_semaphore, #tpu.memory_space<semaphore_mem>>) src(%dma_wait3A_52 : memref<6400x16xf32, #tpu.memory_space<vmem_shared>>) dst(%dma_wait3A_50 : memref<6400x16xf32, #tpu.memory_space<hbm>>)
      tpu.yield
    }) : () -> ()
    return
  }
}

#map = affine_map<(d0, d1) -> (0, 0)>
#map1 = affine_map<(d0, d1) -> (0, 0, 0)>
module attributes {stable_mosaic.version = 14 : i64} {
  func.func @deg(%arg0: i32, %arg1: i32, %arg2: memref<12800x128xi32, #tpu.memory_space<hbm>>, %arg3: memref<6400x8xf32, #tpu.memory_space<hbm>>, %arg4: memref<128x8xf32, #tpu.memory_space<hbm>>, %arg5: memref<2x102400x8xf32, #tpu.memory_space<hbm>>, %arg6: memref<4x128xi32, #tpu.memory_space<vmem>>, %arg7: memref<128x8xf32, #tpu.memory_space<vmem>>, %arg8: memref<102400x8xf32, #tpu.memory_space<vmem_shared>>) attributes {dimension_semantics = [#tpu.dimension_semantics<core_parallel>, #tpu.dimension_semantics<subcore_parallel>], iteration_bounds = array<i64: 2, 16>, scalar_prefetch = 0 : i64, scratch_operands = 3 : i64, tpu.core_type = #tpu.core_type<sc_vector_subcore>, window_params = [{transform_indices = #map}, {transform_indices = #map}, {transform_indices = #map}, {transform_indices = #map1}]} {
    %mul3A = arith.constant 2 : i32
    %mul3A_0 = arith.muli %arg1, %mul3A : i32
    %add3A = arith.addi %mul3A_0, %arg0 : i32
    %mul3A_1 = arith.constant 6400 : i32
    %mul3A_2 = arith.muli %arg1, %mul3A_1 : i32
    "tpu.region"() ({
      %run_scoped3A = tpu.sem_alloc : memref<!tpu.dma_semaphore, #tpu.memory_space<semaphore_mem>>
      tpu.enqueue_dma source(%arg4 : memref<128x8xf32, #tpu.memory_space<hbm>>) target(%arg7 : memref<128x8xf32, #tpu.memory_space<vmem>>) target_semaphore(%run_scoped3A : memref<!tpu.dma_semaphore, #tpu.memory_space<semaphore_mem>>)
      tpu.wait_dma2 semaphore(%run_scoped3A : memref<!tpu.dma_semaphore, #tpu.memory_space<semaphore_mem>>) src(%arg4 : memref<128x8xf32, #tpu.memory_space<hbm>>) dst(%arg7 : memref<128x8xf32, #tpu.memory_space<vmem>>)
      tpu.yield
    }) : () -> ()
    "tpu.region"() ({
      %run_scoped3A = tpu.sem_alloc : memref<!tpu.dma_semaphore, #tpu.memory_space<semaphore_mem>>
      %dma_start3A = arith.constant 0 : i32
      %dma_start3A_9 = tpu.memref_slice %arg8[%mul3A_2, %dma_start3A] : memref<102400x8xf32, #tpu.memory_space<vmem_shared>> -> memref<6400x8xf32, #tpu.memory_space<vmem_shared>>
      tpu.enqueue_dma source(%arg3 : memref<6400x8xf32, #tpu.memory_space<hbm>>) target(%dma_start3A_9 : memref<6400x8xf32, #tpu.memory_space<vmem_shared>>) target_semaphore(%run_scoped3A : memref<!tpu.dma_semaphore, #tpu.memory_space<semaphore_mem>>)
      %dma_wait3A = arith.constant 0 : i32
      %dma_wait3A_10 = tpu.memref_slice %arg8[%mul3A_2, %dma_wait3A] : memref<102400x8xf32, #tpu.memory_space<vmem_shared>> -> memref<6400x8xf32, #tpu.memory_space<vmem_shared>>
      tpu.wait_dma2 semaphore(%run_scoped3A : memref<!tpu.dma_semaphore, #tpu.memory_space<semaphore_mem>>) src(%arg3 : memref<6400x8xf32, #tpu.memory_space<hbm>>) dst(%dma_wait3A_10 : memref<6400x8xf32, #tpu.memory_space<vmem_shared>>)
      tpu.yield
    }) : () -> ()
    %barrier3A = arith.constant 0 : index
    tpu.barrier barrier_id(%barrier3A)
    %scan3A = arith.constant 0 : i32
    %scan3A_3 = arith.constant 0 : i32
    %scan3A_4 = arith.constant 100 : i32
    %scan3A_5 = arith.addi %scan3A_3, %scan3A_4 : i32
    %scan3A_6 = arith.constant 1 : i32
    scf.for %scan3A_9 = %scan3A_3 to %scan3A_5 step %scan3A_6  : i32 {
      %mul3A_10 = arith.constant 400 : i32
      %mul3A_11 = arith.muli %add3A, %mul3A_10 : i32
      %mul3A_12 = arith.constant 4 : i32
      %mul3A_13 = arith.muli %scan3A_9, %mul3A_12 : i32
      %add3A_14 = arith.addi %mul3A_11, %mul3A_13 : i32
      "tpu.region"() ({
        %run_scoped3A = tpu.sem_alloc : memref<!tpu.dma_semaphore, #tpu.memory_space<semaphore_mem>>
        %dma_start3A = arith.constant 0 : i32
        %dma_start3A_20 = tpu.memref_slice %arg2[%add3A_14, %dma_start3A] : memref<12800x128xi32, #tpu.memory_space<hbm>> -> memref<4x128xi32, #tpu.memory_space<hbm>>
        %dma_start3A_21 = arith.constant 0 : i32
        %dma_start3A_22 = tpu.memref_slice %arg2[%add3A_14, %dma_start3A_21] : memref<12800x128xi32, #tpu.memory_space<hbm>> -> memref<4x128xi32, #tpu.memory_space<hbm>>
        tpu.enqueue_dma source(%dma_start3A_22 : memref<4x128xi32, #tpu.memory_space<hbm>>) target(%arg6 : memref<4x128xi32, #tpu.memory_space<vmem>>) target_semaphore(%run_scoped3A : memref<!tpu.dma_semaphore, #tpu.memory_space<semaphore_mem>>)
        %dma_wait3A = arith.constant 0 : i32
        %dma_wait3A_23 = tpu.memref_slice %arg2[%add3A_14, %dma_wait3A] : memref<12800x128xi32, #tpu.memory_space<hbm>> -> memref<4x128xi32, #tpu.memory_space<hbm>>
        %dma_wait3A_24 = arith.constant 0 : i32
        %dma_wait3A_25 = tpu.memref_slice %arg2[%add3A_14, %dma_wait3A_24] : memref<12800x128xi32, #tpu.memory_space<hbm>> -> memref<4x128xi32, #tpu.memory_space<hbm>>
        tpu.wait_dma2 semaphore(%run_scoped3A : memref<!tpu.dma_semaphore, #tpu.memory_space<semaphore_mem>>) src(%dma_wait3A_25 : memref<4x128xi32, #tpu.memory_space<hbm>>) dst(%arg6 : memref<4x128xi32, #tpu.memory_space<vmem>>)
        tpu.yield
      }) : () -> ()
      %scan3A_15 = arith.constant 0 : i32
      %scan3A_16 = arith.constant 4 : i32
      %scan3A_17 = arith.addi %scan3A_15, %scan3A_16 : i32
      %scan3A_18 = arith.constant 1 : i32
      scf.for %scan3A_20 = %scan3A_15 to %scan3A_17 step %scan3A_18  : i32 {
        "tpu.region"() ({
          %run_scoped3A = tpu.sem_alloc : memref<!tpu.dma_semaphore, #tpu.memory_space<semaphore_mem>>
          %dma_start3A = arith.constant 0 : i32
          %dma_start3A_21 = tpu.memref_slice %arg6[%scan3A_20, %dma_start3A] : memref<4x128xi32, #tpu.memory_space<vmem>> -> memref<1x128xi32, #tpu.memory_space<vmem>>
          %dma_start3A_22 = tpu.memref_squeeze %dma_start3A_21 : memref<1x128xi32, #tpu.memory_space<vmem>> -> memref<128xi32, #tpu.memory_space<vmem>>
          %dma_start3A_23 = arith.constant 0 : i32
          %dma_start3A_24 = arith.constant 0 : i32
          %dma_start3A_25 = tpu.memref_slice %arg8[%dma_start3A_23, %dma_start3A_24] : memref<102400x8xf32, #tpu.memory_space<vmem_shared>> -> memref<102400x8xf32, #tpu.memory_space<vmem_shared>>
          tpu.enqueue_indirect_dma source(%arg7 : memref<128x8xf32, #tpu.memory_space<vmem>>) target(%dma_start3A_25 : memref<102400x8xf32, #tpu.memory_space<vmem_shared>>) offsets(%dma_start3A_22 : memref<128xi32, #tpu.memory_space<vmem>>) semaphore(%run_scoped3A : memref<!tpu.dma_semaphore, #tpu.memory_space<semaphore_mem>>) {add = true}
          %dma_wait3A = arith.constant 0 : i32
          %dma_wait3A_26 = tpu.memref_slice %arg6[%scan3A_20, %dma_wait3A] : memref<4x128xi32, #tpu.memory_space<vmem>> -> memref<1x128xi32, #tpu.memory_space<vmem>>
          %dma_wait3A_27 = tpu.memref_squeeze %dma_wait3A_26 : memref<1x128xi32, #tpu.memory_space<vmem>> -> memref<128xi32, #tpu.memory_space<vmem>>
          %dma_wait3A_28 = arith.constant 0 : i32
          %dma_wait3A_29 = arith.constant 0 : i32
          %dma_wait3A_30 = tpu.memref_slice %arg8[%dma_wait3A_28, %dma_wait3A_29] : memref<102400x8xf32, #tpu.memory_space<vmem_shared>> -> memref<102400x8xf32, #tpu.memory_space<vmem_shared>>
          tpu.wait_indirect_dma semaphore(%run_scoped3A : memref<!tpu.dma_semaphore, #tpu.memory_space<semaphore_mem>>) src(%arg7 : memref<128x8xf32, #tpu.memory_space<vmem>>) dst(%dma_wait3A_30 : memref<102400x8xf32, #tpu.memory_space<vmem_shared>>)
          tpu.yield
        }) : () -> ()
      }
      %scan3A_19 = arith.constant 4 : i32
    }
    %scan3A_7 = arith.constant 100 : i32
    %barrier3A_8 = arith.constant 0 : index
    tpu.barrier barrier_id(%barrier3A_8)
    "tpu.region"() ({
      %run_scoped3A = tpu.sem_alloc : memref<!tpu.dma_semaphore, #tpu.memory_space<semaphore_mem>>
      %dma_start3A = arith.constant 0 : i32
      %dma_start3A_9 = tpu.memref_slice %arg5[%arg0, %mul3A_2, %dma_start3A] : memref<2x102400x8xf32, #tpu.memory_space<hbm>> -> memref<1x6400x8xf32, #tpu.memory_space<hbm>>
      %dma_start3A_10 = tpu.memref_squeeze %dma_start3A_9 : memref<1x6400x8xf32, #tpu.memory_space<hbm>> -> memref<6400x8xf32, #tpu.memory_space<hbm>>
      %dma_start3A_11 = arith.constant 0 : i32
      %dma_start3A_12 = tpu.memref_slice %arg8[%mul3A_2, %dma_start3A_11] : memref<102400x8xf32, #tpu.memory_space<vmem_shared>> -> memref<6400x8xf32, #tpu.memory_space<vmem_shared>>
      tpu.enqueue_dma source(%dma_start3A_12 : memref<6400x8xf32, #tpu.memory_space<vmem_shared>>) target(%dma_start3A_10 : memref<6400x8xf32, #tpu.memory_space<hbm>>) target_semaphore(%run_scoped3A : memref<!tpu.dma_semaphore, #tpu.memory_space<semaphore_mem>>)
      %dma_wait3A = arith.constant 0 : i32
      %dma_wait3A_13 = tpu.memref_slice %arg5[%arg0, %mul3A_2, %dma_wait3A] : memref<2x102400x8xf32, #tpu.memory_space<hbm>> -> memref<1x6400x8xf32, #tpu.memory_space<hbm>>
      %dma_wait3A_14 = tpu.memref_squeeze %dma_wait3A_13 : memref<1x6400x8xf32, #tpu.memory_space<hbm>> -> memref<6400x8xf32, #tpu.memory_space<hbm>>
      %dma_wait3A_15 = arith.constant 0 : i32
      %dma_wait3A_16 = tpu.memref_slice %arg8[%mul3A_2, %dma_wait3A_15] : memref<102400x8xf32, #tpu.memory_space<vmem_shared>> -> memref<6400x8xf32, #tpu.memory_space<vmem_shared>>
      tpu.wait_dma2 semaphore(%run_scoped3A : memref<!tpu.dma_semaphore, #tpu.memory_space<semaphore_mem>>) src(%dma_wait3A_16 : memref<6400x8xf32, #tpu.memory_space<vmem_shared>>) dst(%dma_wait3A_14 : memref<6400x8xf32, #tpu.memory_space<hbm>>)
      tpu.yield
    }) : () -> ()
    return
  }
}

#map = affine_map<(d0, d1) -> (0, 0)>
#map1 = affine_map<(d0, d1) -> (0, 0, 0)>
module attributes {stable_mosaic.version = 14 : i64} {
  func.func @agg(%arg0: i32, %arg1: i32, %arg2: memref<100000x8xf32, #tpu.memory_space<hbm>>, %arg3: memref<12800x128xi32, #tpu.memory_space<hbm>>, %arg4: memref<12800x128xi32, #tpu.memory_space<hbm>>, %arg5: memref<6400x8xf32, #tpu.memory_space<hbm>>, %arg6: memref<2x102400x8xf32, #tpu.memory_space<hbm>>, %arg7: memref<2x4x128xi32, #tpu.memory_space<vmem>>, %arg8: memref<4x128xi32, #tpu.memory_space<vmem>>, %arg9: memref<2x512x8xf32, #tpu.memory_space<vmem>>, %arg10: memref<102400x8xf32, #tpu.memory_space<vmem_shared>>, %arg11: memref<!tpu.dma_semaphore, #tpu.memory_space<semaphore_mem>>) attributes {dimension_semantics = [#tpu.dimension_semantics<core_parallel>, #tpu.dimension_semantics<subcore_parallel>], iteration_bounds = array<i64: 2, 16>, scalar_prefetch = 0 : i64, scratch_operands = 5 : i64, tpu.core_type = #tpu.core_type<sc_vector_subcore>, window_params = [{transform_indices = #map}, {transform_indices = #map}, {transform_indices = #map}, {transform_indices = #map}, {transform_indices = #map1}]} {
    %mul3A = arith.constant 2 : i32
    %mul3A_0 = arith.muli %arg1, %mul3A : i32
    %add3A = arith.addi %mul3A_0, %arg0 : i32
    %mul3A_1 = arith.constant 6400 : i32
    %mul3A_2 = arith.muli %arg1, %mul3A_1 : i32
    "tpu.region"() ({
      %run_scoped3A_43 = tpu.sem_alloc : memref<!tpu.dma_semaphore, #tpu.memory_space<semaphore_mem>>
      %dma_start3A = arith.constant 0 : i32
      %dma_start3A_44 = tpu.memref_slice %arg10[%mul3A_2, %dma_start3A] : memref<102400x8xf32, #tpu.memory_space<vmem_shared>> -> memref<6400x8xf32, #tpu.memory_space<vmem_shared>>
      tpu.enqueue_dma source(%arg5 : memref<6400x8xf32, #tpu.memory_space<hbm>>) target(%dma_start3A_44 : memref<6400x8xf32, #tpu.memory_space<vmem_shared>>) target_semaphore(%run_scoped3A_43 : memref<!tpu.dma_semaphore, #tpu.memory_space<semaphore_mem>>)
      %dma_wait3A_45 = arith.constant 0 : i32
      %dma_wait3A_46 = tpu.memref_slice %arg10[%mul3A_2, %dma_wait3A_45] : memref<102400x8xf32, #tpu.memory_space<vmem_shared>> -> memref<6400x8xf32, #tpu.memory_space<vmem_shared>>
      tpu.wait_dma2 semaphore(%run_scoped3A_43 : memref<!tpu.dma_semaphore, #tpu.memory_space<semaphore_mem>>) src(%arg5 : memref<6400x8xf32, #tpu.memory_space<hbm>>) dst(%dma_wait3A_46 : memref<6400x8xf32, #tpu.memory_space<vmem_shared>>)
      tpu.yield
    }) : () -> ()
    %barrier3A = arith.constant 0 : index
    tpu.barrier barrier_id(%barrier3A)
    %mul3A_3 = arith.constant 400 : i32
    %mul3A_4 = arith.muli %add3A, %mul3A_3 : i32
    %add3A_5 = arith.constant 0 : i32
    %add3A_6 = arith.addi %mul3A_4, %add3A_5 : i32
    %run_scoped3A = arith.constant 0 : i32
    "tpu.region"() ({
      %run_scoped3A_43 = tpu.sem_alloc : memref<!tpu.dma_semaphore, #tpu.memory_space<semaphore_mem>>
      %dma_start3A = arith.constant 0 : i32
      %dma_start3A_44 = arith.constant 0 : i32
      %dma_start3A_45 = tpu.memref_slice %arg7[%run_scoped3A, %dma_start3A, %dma_start3A_44] : memref<2x4x128xi32, #tpu.memory_space<vmem>> -> memref<1x4x128xi32, #tpu.memory_space<vmem>>
      %dma_start3A_46 = tpu.memref_squeeze %dma_start3A_45 : memref<1x4x128xi32, #tpu.memory_space<vmem>> -> memref<4x128xi32, #tpu.memory_space<vmem>>
      %dma_start3A_47 = arith.constant 0 : i32
      %dma_start3A_48 = tpu.memref_slice %arg3[%add3A_6, %dma_start3A_47] : memref<12800x128xi32, #tpu.memory_space<hbm>> -> memref<4x128xi32, #tpu.memory_space<hbm>>
      %dma_start3A_49 = arith.constant 0 : i32
      %dma_start3A_50 = arith.constant 0 : i32
      %dma_start3A_51 = tpu.memref_slice %arg7[%run_scoped3A, %dma_start3A_49, %dma_start3A_50] : memref<2x4x128xi32, #tpu.memory_space<vmem>> -> memref<1x4x128xi32, #tpu.memory_space<vmem>>
      %dma_start3A_52 = tpu.memref_squeeze %dma_start3A_51 : memref<1x4x128xi32, #tpu.memory_space<vmem>> -> memref<4x128xi32, #tpu.memory_space<vmem>>
      %dma_start3A_53 = arith.constant 0 : i32
      %dma_start3A_54 = tpu.memref_slice %arg3[%add3A_6, %dma_start3A_53] : memref<12800x128xi32, #tpu.memory_space<hbm>> -> memref<4x128xi32, #tpu.memory_space<hbm>>
      tpu.enqueue_dma source(%dma_start3A_54 : memref<4x128xi32, #tpu.memory_space<hbm>>) target(%dma_start3A_52 : memref<4x128xi32, #tpu.memory_space<vmem>>) target_semaphore(%run_scoped3A_43 : memref<!tpu.dma_semaphore, #tpu.memory_space<semaphore_mem>>)
      %dma_wait3A_55 = arith.constant 0 : i32
      %dma_wait3A_56 = arith.constant 0 : i32
      %dma_wait3A_57 = tpu.memref_slice %arg7[%run_scoped3A, %dma_wait3A_55, %dma_wait3A_56] : memref<2x4x128xi32, #tpu.memory_space<vmem>> -> memref<1x4x128xi32, #tpu.memory_space<vmem>>
      %dma_wait3A_58 = tpu.memref_squeeze %dma_wait3A_57 : memref<1x4x128xi32, #tpu.memory_space<vmem>> -> memref<4x128xi32, #tpu.memory_space<vmem>>
      %dma_wait3A_59 = arith.constant 0 : i32
      %dma_wait3A_60 = tpu.memref_slice %arg3[%add3A_6, %dma_wait3A_59] : memref<12800x128xi32, #tpu.memory_space<hbm>> -> memref<4x128xi32, #tpu.memory_space<hbm>>
      %dma_wait3A_61 = arith.constant 0 : i32
      %dma_wait3A_62 = arith.constant 0 : i32
      %dma_wait3A_63 = tpu.memref_slice %arg7[%run_scoped3A, %dma_wait3A_61, %dma_wait3A_62] : memref<2x4x128xi32, #tpu.memory_space<vmem>> -> memref<1x4x128xi32, #tpu.memory_space<vmem>>
      %dma_wait3A_64 = tpu.memref_squeeze %dma_wait3A_63 : memref<1x4x128xi32, #tpu.memory_space<vmem>> -> memref<4x128xi32, #tpu.memory_space<vmem>>
      %dma_wait3A_65 = arith.constant 0 : i32
      %dma_wait3A_66 = tpu.memref_slice %arg3[%add3A_6, %dma_wait3A_65] : memref<12800x128xi32, #tpu.memory_space<hbm>> -> memref<4x128xi32, #tpu.memory_space<hbm>>
      tpu.wait_dma2 semaphore(%run_scoped3A_43 : memref<!tpu.dma_semaphore, #tpu.memory_space<semaphore_mem>>) src(%dma_wait3A_66 : memref<4x128xi32, #tpu.memory_space<hbm>>) dst(%dma_wait3A_64 : memref<4x128xi32, #tpu.memory_space<vmem>>)
      tpu.yield
    }) : () -> ()
    %scan3A = arith.constant 0 : i32
    %scan3A_7 = arith.constant 0 : i32
    %scan3A_8 = arith.constant 4 : i32
    %scan3A_9 = arith.addi %scan3A_7, %scan3A_8 : i32
    %scan3A_10 = arith.constant 1 : i32
    scf.for %scan3A_43 = %scan3A_7 to %scan3A_9 step %scan3A_10  : i32 {
      %mul3A_44 = arith.constant 128 : i32
      %mul3A_45 = arith.muli %scan3A_43, %mul3A_44 : i32
      %dma_start3A = arith.constant 0 : i32
      %dma_start3A_46 = arith.constant 0 : i32
      %dma_start3A_47 = arith.constant 0 : i32
      %dma_start3A_48 = tpu.memref_slice %arg9[%dma_start3A_46, %mul3A_45, %dma_start3A_47] : memref<2x512x8xf32, #tpu.memory_space<vmem>> -> memref<1x128x8xf32, #tpu.memory_space<vmem>>
      %dma_start3A_49 = tpu.memref_squeeze %dma_start3A_48 : memref<1x128x8xf32, #tpu.memory_space<vmem>> -> memref<128x8xf32, #tpu.memory_space<vmem>>
      %dma_start3A_50 = arith.constant 0 : i32
      %dma_start3A_51 = tpu.memref_slice %arg7[%dma_start3A, %scan3A_43, %dma_start3A_50] : memref<2x4x128xi32, #tpu.memory_space<vmem>> -> memref<1x1x128xi32, #tpu.memory_space<vmem>>
      %dma_start3A_52 = tpu.memref_squeeze %dma_start3A_51 : memref<1x1x128xi32, #tpu.memory_space<vmem>> -> memref<128xi32, #tpu.memory_space<vmem>>
      %dma_start3A_53 = arith.constant 0 : i32
      %dma_start3A_54 = arith.constant 0 : i32
      %dma_start3A_55 = tpu.memref_slice %arg2[%dma_start3A_53, %dma_start3A_54] : memref<100000x8xf32, #tpu.memory_space<hbm>> -> memref<100000x8xf32, #tpu.memory_space<hbm>>
      tpu.enqueue_indirect_dma source(%dma_start3A_55 : memref<100000x8xf32, #tpu.memory_space<hbm>>) target(%dma_start3A_49 : memref<128x8xf32, #tpu.memory_space<vmem>>) offsets(%dma_start3A_52 : memref<128xi32, #tpu.memory_space<vmem>>) semaphore(%arg11 : memref<!tpu.dma_semaphore, #tpu.memory_space<semaphore_mem>>)
    }
    %scan3A_11 = arith.constant 4 : i32
    %scan3A_12 = arith.constant 0 : i32
    %scan3A_13 = arith.constant 1 : i32
    %scan3A_14 = arith.constant 99 : i32
    %scan3A_15 = arith.addi %scan3A_13, %scan3A_14 : i32
    %scan3A_16 = arith.constant 1 : i32
    scf.for %scan3A_43 = %scan3A_13 to %scan3A_15 step %scan3A_16  : i32 {
      %rem3A = arith.constant 2 : i32
      %rem3A_44 = arith.remsi %scan3A_43, %rem3A : i32
      %mul3A_45 = arith.constant 400 : i32
      %mul3A_46 = arith.muli %add3A, %mul3A_45 : i32
      %mul3A_47 = arith.constant 4 : i32
      %mul3A_48 = arith.muli %scan3A_43, %mul3A_47 : i32
      %add3A_49 = arith.addi %mul3A_46, %mul3A_48 : i32
      "tpu.region"() ({
        %run_scoped3A_84 = tpu.sem_alloc : memref<!tpu.dma_semaphore, #tpu.memory_space<semaphore_mem>>
        %dma_start3A = arith.constant 0 : i32
        %dma_start3A_85 = arith.constant 0 : i32
        %dma_start3A_86 = tpu.memref_slice %arg7[%rem3A_44, %dma_start3A, %dma_start3A_85] : memref<2x4x128xi32, #tpu.memory_space<vmem>> -> memref<1x4x128xi32, #tpu.memory_space<vmem>>
        %dma_start3A_87 = tpu.memref_squeeze %dma_start3A_86 : memref<1x4x128xi32, #tpu.memory_space<vmem>> -> memref<4x128xi32, #tpu.memory_space<vmem>>
        %dma_start3A_88 = arith.constant 0 : i32
        %dma_start3A_89 = tpu.memref_slice %arg3[%add3A_49, %dma_start3A_88] : memref<12800x128xi32, #tpu.memory_space<hbm>> -> memref<4x128xi32, #tpu.memory_space<hbm>>
        %dma_start3A_90 = arith.constant 0 : i32
        %dma_start3A_91 = arith.constant 0 : i32
        %dma_start3A_92 = tpu.memref_slice %arg7[%rem3A_44, %dma_start3A_90, %dma_start3A_91] : memref<2x4x128xi32, #tpu.memory_space<vmem>> -> memref<1x4x128xi32, #tpu.memory_space<vmem>>
        %dma_start3A_93 = tpu.memref_squeeze %dma_start3A_92 : memref<1x4x128xi32, #tpu.memory_space<vmem>> -> memref<4x128xi32, #tpu.memory_space<vmem>>
        %dma_start3A_94 = arith.constant 0 : i32
        %dma_start3A_95 = tpu.memref_slice %arg3[%add3A_49, %dma_start3A_94] : memref<12800x128xi32, #tpu.memory_space<hbm>> -> memref<4x128xi32, #tpu.memory_space<hbm>>
        tpu.enqueue_dma source(%dma_start3A_95 : memref<4x128xi32, #tpu.memory_space<hbm>>) target(%dma_start3A_93 : memref<4x128xi32, #tpu.memory_space<vmem>>) target_semaphore(%run_scoped3A_84 : memref<!tpu.dma_semaphore, #tpu.memory_space<semaphore_mem>>)
        %dma_wait3A_96 = arith.constant 0 : i32
        %dma_wait3A_97 = arith.constant 0 : i32
        %dma_wait3A_98 = tpu.memref_slice %arg7[%rem3A_44, %dma_wait3A_96, %dma_wait3A_97] : memref<2x4x128xi32, #tpu.memory_space<vmem>> -> memref<1x4x128xi32, #tpu.memory_space<vmem>>
        %dma_wait3A_99 = tpu.memref_squeeze %dma_wait3A_98 : memref<1x4x128xi32, #tpu.memory_space<vmem>> -> memref<4x128xi32, #tpu.memory_space<vmem>>
        %dma_wait3A_100 = arith.constant 0 : i32
        %dma_wait3A_101 = tpu.memref_slice %arg3[%add3A_49, %dma_wait3A_100] : memref<12800x128xi32, #tpu.memory_space<hbm>> -> memref<4x128xi32, #tpu.memory_space<hbm>>
        %dma_wait3A_102 = arith.constant 0 : i32
        %dma_wait3A_103 = arith.constant 0 : i32
        %dma_wait3A_104 = tpu.memref_slice %arg7[%rem3A_44, %dma_wait3A_102, %dma_wait3A_103] : memref<2x4x128xi32, #tpu.memory_space<vmem>> -> memref<1x4x128xi32, #tpu.memory_space<vmem>>
        %dma_wait3A_105 = tpu.memref_squeeze %dma_wait3A_104 : memref<1x4x128xi32, #tpu.memory_space<vmem>> -> memref<4x128xi32, #tpu.memory_space<vmem>>
        %dma_wait3A_106 = arith.constant 0 : i32
        %dma_wait3A_107 = tpu.memref_slice %arg3[%add3A_49, %dma_wait3A_106] : memref<12800x128xi32, #tpu.memory_space<hbm>> -> memref<4x128xi32, #tpu.memory_space<hbm>>
        tpu.wait_dma2 semaphore(%run_scoped3A_84 : memref<!tpu.dma_semaphore, #tpu.memory_space<semaphore_mem>>) src(%dma_wait3A_107 : memref<4x128xi32, #tpu.memory_space<hbm>>) dst(%dma_wait3A_105 : memref<4x128xi32, #tpu.memory_space<vmem>>)
        tpu.yield
      }) : () -> ()
      %scan3A_50 = arith.constant 0 : i32
      %scan3A_51 = arith.constant 0 : i32
      %scan3A_52 = arith.constant 4 : i32
      %scan3A_53 = arith.addi %scan3A_51, %scan3A_52 : i32
      %scan3A_54 = arith.constant 1 : i32
      scf.for %scan3A_84 = %scan3A_51 to %scan3A_53 step %scan3A_54  : i32 {
        %mul3A_85 = arith.constant 128 : i32
        %mul3A_86 = arith.muli %scan3A_84, %mul3A_85 : i32
        %dma_start3A = arith.constant 0 : i32
        %dma_start3A_87 = tpu.memref_slice %arg9[%rem3A_44, %mul3A_86, %dma_start3A] : memref<2x512x8xf32, #tpu.memory_space<vmem>> -> memref<1x128x8xf32, #tpu.memory_space<vmem>>
        %dma_start3A_88 = tpu.memref_squeeze %dma_start3A_87 : memref<1x128x8xf32, #tpu.memory_space<vmem>> -> memref<128x8xf32, #tpu.memory_space<vmem>>
        %dma_start3A_89 = arith.constant 0 : i32
        %dma_start3A_90 = tpu.memref_slice %arg7[%rem3A_44, %scan3A_84, %dma_start3A_89] : memref<2x4x128xi32, #tpu.memory_space<vmem>> -> memref<1x1x128xi32, #tpu.memory_space<vmem>>
        %dma_start3A_91 = tpu.memref_squeeze %dma_start3A_90 : memref<1x1x128xi32, #tpu.memory_space<vmem>> -> memref<128xi32, #tpu.memory_space<vmem>>
        %dma_start3A_92 = arith.constant 0 : i32
        %dma_start3A_93 = arith.constant 0 : i32
        %dma_start3A_94 = tpu.memref_slice %arg2[%dma_start3A_92, %dma_start3A_93] : memref<100000x8xf32, #tpu.memory_space<hbm>> -> memref<100000x8xf32, #tpu.memory_space<hbm>>
        tpu.enqueue_indirect_dma source(%dma_start3A_94 : memref<100000x8xf32, #tpu.memory_space<hbm>>) target(%dma_start3A_88 : memref<128x8xf32, #tpu.memory_space<vmem>>) offsets(%dma_start3A_91 : memref<128xi32, #tpu.memory_space<vmem>>) semaphore(%arg11 : memref<!tpu.dma_semaphore, #tpu.memory_space<semaphore_mem>>)
      }
      %scan3A_55 = arith.constant 4 : i32
      %sub3A = arith.constant 1 : i32
      %sub3A_56 = arith.subi %scan3A_43, %sub3A : i32
      %sub3A_57 = arith.constant 1 : i32
      %sub3A_58 = arith.subi %sub3A_57, %rem3A_44 : i32
      %mul3A_59 = arith.constant 400 : i32
      %mul3A_60 = arith.muli %add3A, %mul3A_59 : i32
      %mul3A_61 = arith.constant 4 : i32
      %mul3A_62 = arith.muli %sub3A_56, %mul3A_61 : i32
      %add3A_63 = arith.addi %mul3A_60, %mul3A_62 : i32
      "tpu.region"() ({
        %run_scoped3A_84 = tpu.sem_alloc : memref<!tpu.dma_semaphore, #tpu.memory_space<semaphore_mem>>
        %dma_start3A = arith.constant 0 : i32
        %dma_start3A_85 = tpu.memref_slice %arg4[%add3A_63, %dma_start3A] : memref<12800x128xi32, #tpu.memory_space<hbm>> -> memref<4x128xi32, #tpu.memory_space<hbm>>
        %dma_start3A_86 = arith.constant 0 : i32
        %dma_start3A_87 = tpu.memref_slice %arg4[%add3A_63, %dma_start3A_86] : memref<12800x128xi32, #tpu.memory_space<hbm>> -> memref<4x128xi32, #tpu.memory_space<hbm>>
        tpu.enqueue_dma source(%dma_start3A_87 : memref<4x128xi32, #tpu.memory_space<hbm>>) target(%arg8 : memref<4x128xi32, #tpu.memory_space<vmem>>) target_semaphore(%run_scoped3A_84 : memref<!tpu.dma_semaphore, #tpu.memory_space<semaphore_mem>>)
        %dma_wait3A_88 = arith.constant 0 : i32
        %dma_wait3A_89 = tpu.memref_slice %arg4[%add3A_63, %dma_wait3A_88] : memref<12800x128xi32, #tpu.memory_space<hbm>> -> memref<4x128xi32, #tpu.memory_space<hbm>>
        %dma_wait3A_90 = arith.constant 0 : i32
        %dma_wait3A_91 = tpu.memref_slice %arg4[%add3A_63, %dma_wait3A_90] : memref<12800x128xi32, #tpu.memory_space<hbm>> -> memref<4x128xi32, #tpu.memory_space<hbm>>
        tpu.wait_dma2 semaphore(%run_scoped3A_84 : memref<!tpu.dma_semaphore, #tpu.memory_space<semaphore_mem>>) src(%dma_wait3A_91 : memref<4x128xi32, #tpu.memory_space<hbm>>) dst(%arg8 : memref<4x128xi32, #tpu.memory_space<vmem>>)
        tpu.yield
      }) : () -> ()
      %dma_wait3A_64 = arith.constant 0 : i32
      %dma_wait3A_65 = arith.constant 0 : i32
      %dma_wait3A_66 = tpu.memref_slice %arg9[%sub3A_58, %dma_wait3A_64, %dma_wait3A_65] : memref<2x512x8xf32, #tpu.memory_space<vmem>> -> memref<1x512x8xf32, #tpu.memory_space<vmem>>
      %dma_wait3A_67 = tpu.memref_squeeze %dma_wait3A_66 : memref<1x512x8xf32, #tpu.memory_space<vmem>> -> memref<512x8xf32, #tpu.memory_space<vmem>>
      %dma_wait3A_68 = arith.constant 0 : i32
      %dma_wait3A_69 = arith.constant 0 : i32
      %dma_wait3A_70 = tpu.memref_slice %arg5[%dma_wait3A_68, %dma_wait3A_69] : memref<6400x8xf32, #tpu.memory_space<hbm>> -> memref<512x8xf32, #tpu.memory_space<hbm>>
      %dma_wait3A_71 = arith.constant 0 : i32
      %dma_wait3A_72 = arith.constant 0 : i32
      %dma_wait3A_73 = tpu.memref_slice %arg9[%sub3A_58, %dma_wait3A_71, %dma_wait3A_72] : memref<2x512x8xf32, #tpu.memory_space<vmem>> -> memref<1x512x8xf32, #tpu.memory_space<vmem>>
      %dma_wait3A_74 = tpu.memref_squeeze %dma_wait3A_73 : memref<1x512x8xf32, #tpu.memory_space<vmem>> -> memref<512x8xf32, #tpu.memory_space<vmem>>
      %dma_wait3A_75 = arith.constant 0 : i32
      %dma_wait3A_76 = arith.constant 0 : i32
      %dma_wait3A_77 = tpu.memref_slice %arg5[%dma_wait3A_75, %dma_wait3A_76] : memref<6400x8xf32, #tpu.memory_space<hbm>> -> memref<512x8xf32, #tpu.memory_space<hbm>>
      tpu.wait_dma2 semaphore(%arg11 : memref<!tpu.dma_semaphore, #tpu.memory_space<semaphore_mem>>) src(%dma_wait3A_77 : memref<512x8xf32, #tpu.memory_space<hbm>>) dst(%dma_wait3A_74 : memref<512x8xf32, #tpu.memory_space<vmem>>)
      %scan3A_78 = arith.constant 0 : i32
      %scan3A_79 = arith.constant 0 : i32
      %scan3A_80 = arith.constant 4 : i32
      %scan3A_81 = arith.addi %scan3A_79, %scan3A_80 : i32
      %scan3A_82 = arith.constant 1 : i32
      scf.for %scan3A_84 = %scan3A_79 to %scan3A_81 step %scan3A_82  : i32 {
        %mul3A_85 = arith.constant 128 : i32
        %mul3A_86 = arith.muli %scan3A_84, %mul3A_85 : i32
        "tpu.region"() ({
          %run_scoped3A_87 = tpu.sem_alloc : memref<!tpu.dma_semaphore, #tpu.memory_space<semaphore_mem>>
          %dma_start3A = arith.constant 0 : i32
          %dma_start3A_88 = tpu.memref_slice %arg9[%sub3A_58, %mul3A_86, %dma_start3A] : memref<2x512x8xf32, #tpu.memory_space<vmem>> -> memref<1x128x8xf32, #tpu.memory_space<vmem>>
          %dma_start3A_89 = tpu.memref_squeeze %dma_start3A_88 : memref<1x128x8xf32, #tpu.memory_space<vmem>> -> memref<128x8xf32, #tpu.memory_space<vmem>>
          %dma_start3A_90 = arith.constant 0 : i32
          %dma_start3A_91 = tpu.memref_slice %arg8[%scan3A_84, %dma_start3A_90] : memref<4x128xi32, #tpu.memory_space<vmem>> -> memref<1x128xi32, #tpu.memory_space<vmem>>
          %dma_start3A_92 = tpu.memref_squeeze %dma_start3A_91 : memref<1x128xi32, #tpu.memory_space<vmem>> -> memref<128xi32, #tpu.memory_space<vmem>>
          %dma_start3A_93 = arith.constant 0 : i32
          %dma_start3A_94 = arith.constant 0 : i32
          %dma_start3A_95 = tpu.memref_slice %arg10[%dma_start3A_93, %dma_start3A_94] : memref<102400x8xf32, #tpu.memory_space<vmem_shared>> -> memref<102400x8xf32, #tpu.memory_space<vmem_shared>>
          tpu.enqueue_indirect_dma source(%dma_start3A_89 : memref<128x8xf32, #tpu.memory_space<vmem>>) target(%dma_start3A_95 : memref<102400x8xf32, #tpu.memory_space<vmem_shared>>) offsets(%dma_start3A_92 : memref<128xi32, #tpu.memory_space<vmem>>) semaphore(%run_scoped3A_87 : memref<!tpu.dma_semaphore, #tpu.memory_space<semaphore_mem>>) {add = true}
          %dma_wait3A_96 = arith.constant 0 : i32
          %dma_wait3A_97 = tpu.memref_slice %arg9[%sub3A_58, %mul3A_86, %dma_wait3A_96] : memref<2x512x8xf32, #tpu.memory_space<vmem>> -> memref<1x128x8xf32, #tpu.memory_space<vmem>>
          %dma_wait3A_98 = tpu.memref_squeeze %dma_wait3A_97 : memref<1x128x8xf32, #tpu.memory_space<vmem>> -> memref<128x8xf32, #tpu.memory_space<vmem>>
          %dma_wait3A_99 = arith.constant 0 : i32
          %dma_wait3A_100 = tpu.memref_slice %arg8[%scan3A_84, %dma_wait3A_99] : memref<4x128xi32, #tpu.memory_space<vmem>> -> memref<1x128xi32, #tpu.memory_space<vmem>>
          %dma_wait3A_101 = tpu.memref_squeeze %dma_wait3A_100 : memref<1x128xi32, #tpu.memory_space<vmem>> -> memref<128xi32, #tpu.memory_space<vmem>>
          %dma_wait3A_102 = arith.constant 0 : i32
          %dma_wait3A_103 = arith.constant 0 : i32
          %dma_wait3A_104 = tpu.memref_slice %arg10[%dma_wait3A_102, %dma_wait3A_103] : memref<102400x8xf32, #tpu.memory_space<vmem_shared>> -> memref<102400x8xf32, #tpu.memory_space<vmem_shared>>
          tpu.wait_indirect_dma semaphore(%run_scoped3A_87 : memref<!tpu.dma_semaphore, #tpu.memory_space<semaphore_mem>>) src(%dma_wait3A_98 : memref<128x8xf32, #tpu.memory_space<vmem>>) dst(%dma_wait3A_104 : memref<102400x8xf32, #tpu.memory_space<vmem_shared>>)
          tpu.yield
        }) : () -> ()
      }
      %scan3A_83 = arith.constant 4 : i32
    }
    %scan3A_17 = arith.constant 99 : i32
    %mul3A_18 = arith.constant 400 : i32
    %mul3A_19 = arith.muli %add3A, %mul3A_18 : i32
    %add3A_20 = arith.constant 396 : i32
    %add3A_21 = arith.addi %mul3A_19, %add3A_20 : i32
    "tpu.region"() ({
      %run_scoped3A_43 = tpu.sem_alloc : memref<!tpu.dma_semaphore, #tpu.memory_space<semaphore_mem>>
      %dma_start3A = arith.constant 0 : i32
      %dma_start3A_44 = tpu.memref_slice %arg4[%add3A_21, %dma_start3A] : memref<12800x128xi32, #tpu.memory_space<hbm>> -> memref<4x128xi32, #tpu.memory_space<hbm>>
      %dma_start3A_45 = arith.constant 0 : i32
      %dma_start3A_46 = tpu.memref_slice %arg4[%add3A_21, %dma_start3A_45] : memref<12800x128xi32, #tpu.memory_space<hbm>> -> memref<4x128xi32, #tpu.memory_space<hbm>>
      tpu.enqueue_dma source(%dma_start3A_46 : memref<4x128xi32, #tpu.memory_space<hbm>>) target(%arg8 : memref<4x128xi32, #tpu.memory_space<vmem>>) target_semaphore(%run_scoped3A_43 : memref<!tpu.dma_semaphore, #tpu.memory_space<semaphore_mem>>)
      %dma_wait3A_47 = arith.constant 0 : i32
      %dma_wait3A_48 = tpu.memref_slice %arg4[%add3A_21, %dma_wait3A_47] : memref<12800x128xi32, #tpu.memory_space<hbm>> -> memref<4x128xi32, #tpu.memory_space<hbm>>
      %dma_wait3A_49 = arith.constant 0 : i32
      %dma_wait3A_50 = tpu.memref_slice %arg4[%add3A_21, %dma_wait3A_49] : memref<12800x128xi32, #tpu.memory_space<hbm>> -> memref<4x128xi32, #tpu.memory_space<hbm>>
      tpu.wait_dma2 semaphore(%run_scoped3A_43 : memref<!tpu.dma_semaphore, #tpu.memory_space<semaphore_mem>>) src(%dma_wait3A_50 : memref<4x128xi32, #tpu.memory_space<hbm>>) dst(%arg8 : memref<4x128xi32, #tpu.memory_space<vmem>>)
      tpu.yield
    }) : () -> ()
    %dma_wait3A = arith.constant 1 : i32
    %dma_wait3A_22 = arith.constant 0 : i32
    %dma_wait3A_23 = arith.constant 0 : i32
    %dma_wait3A_24 = tpu.memref_slice %arg9[%dma_wait3A, %dma_wait3A_22, %dma_wait3A_23] : memref<2x512x8xf32, #tpu.memory_space<vmem>> -> memref<1x512x8xf32, #tpu.memory_space<vmem>>
    %dma_wait3A_25 = tpu.memref_squeeze %dma_wait3A_24 : memref<1x512x8xf32, #tpu.memory_space<vmem>> -> memref<512x8xf32, #tpu.memory_space<vmem>>
    %dma_wait3A_26 = arith.constant 0 : i32
    %dma_wait3A_27 = arith.constant 0 : i32
    %dma_wait3A_28 = tpu.memref_slice %arg5[%dma_wait3A_26, %dma_wait3A_27] : memref<6400x8xf32, #tpu.memory_space<hbm>> -> memref<512x8xf32, #tpu.memory_space<hbm>>
    %dma_wait3A_29 = arith.constant 0 : i32
    %dma_wait3A_30 = arith.constant 0 : i32
    %dma_wait3A_31 = tpu.memref_slice %arg9[%dma_wait3A, %dma_wait3A_29, %dma_wait3A_30] : memref<2x512x8xf32, #tpu.memory_space<vmem>> -> memref<1x512x8xf32, #tpu.memory_space<vmem>>
    %dma_wait3A_32 = tpu.memref_squeeze %dma_wait3A_31 : memref<1x512x8xf32, #tpu.memory_space<vmem>> -> memref<512x8xf32, #tpu.memory_space<vmem>>
    %dma_wait3A_33 = arith.constant 0 : i32
    %dma_wait3A_34 = arith.constant 0 : i32
    %dma_wait3A_35 = tpu.memref_slice %arg5[%dma_wait3A_33, %dma_wait3A_34] : memref<6400x8xf32, #tpu.memory_space<hbm>> -> memref<512x8xf32, #tpu.memory_space<hbm>>
    tpu.wait_dma2 semaphore(%arg11 : memref<!tpu.dma_semaphore, #tpu.memory_space<semaphore_mem>>) src(%dma_wait3A_35 : memref<512x8xf32, #tpu.memory_space<hbm>>) dst(%dma_wait3A_32 : memref<512x8xf32, #tpu.memory_space<vmem>>)
    %scan3A_36 = arith.constant 0 : i32
    %scan3A_37 = arith.constant 0 : i32
    %scan3A_38 = arith.constant 4 : i32
    %scan3A_39 = arith.addi %scan3A_37, %scan3A_38 : i32
    %scan3A_40 = arith.constant 1 : i32
    scf.for %scan3A_43 = %scan3A_37 to %scan3A_39 step %scan3A_40  : i32 {
      %mul3A_44 = arith.constant 128 : i32
      %mul3A_45 = arith.muli %scan3A_43, %mul3A_44 : i32
      %run_scoped3A_46 = arith.constant 1 : i32
      "tpu.region"() ({
        %run_scoped3A_47 = tpu.sem_alloc : memref<!tpu.dma_semaphore, #tpu.memory_space<semaphore_mem>>
        %dma_start3A = arith.constant 0 : i32
        %dma_start3A_48 = tpu.memref_slice %arg9[%run_scoped3A_46, %mul3A_45, %dma_start3A] : memref<2x512x8xf32, #tpu.memory_space<vmem>> -> memref<1x128x8xf32, #tpu.memory_space<vmem>>
        %dma_start3A_49 = tpu.memref_squeeze %dma_start3A_48 : memref<1x128x8xf32, #tpu.memory_space<vmem>> -> memref<128x8xf32, #tpu.memory_space<vmem>>
        %dma_start3A_50 = arith.constant 0 : i32
        %dma_start3A_51 = tpu.memref_slice %arg8[%scan3A_43, %dma_start3A_50] : memref<4x128xi32, #tpu.memory_space<vmem>> -> memref<1x128xi32, #tpu.memory_space<vmem>>
        %dma_start3A_52 = tpu.memref_squeeze %dma_start3A_51 : memref<1x128xi32, #tpu.memory_space<vmem>> -> memref<128xi32, #tpu.memory_space<vmem>>
        %dma_start3A_53 = arith.constant 0 : i32
        %dma_start3A_54 = arith.constant 0 : i32
        %dma_start3A_55 = tpu.memref_slice %arg10[%dma_start3A_53, %dma_start3A_54] : memref<102400x8xf32, #tpu.memory_space<vmem_shared>> -> memref<102400x8xf32, #tpu.memory_space<vmem_shared>>
        tpu.enqueue_indirect_dma source(%dma_start3A_49 : memref<128x8xf32, #tpu.memory_space<vmem>>) target(%dma_start3A_55 : memref<102400x8xf32, #tpu.memory_space<vmem_shared>>) offsets(%dma_start3A_52 : memref<128xi32, #tpu.memory_space<vmem>>) semaphore(%run_scoped3A_47 : memref<!tpu.dma_semaphore, #tpu.memory_space<semaphore_mem>>) {add = true}
        %dma_wait3A_56 = arith.constant 0 : i32
        %dma_wait3A_57 = tpu.memref_slice %arg9[%run_scoped3A_46, %mul3A_45, %dma_wait3A_56] : memref<2x512x8xf32, #tpu.memory_space<vmem>> -> memref<1x128x8xf32, #tpu.memory_space<vmem>>
        %dma_wait3A_58 = tpu.memref_squeeze %dma_wait3A_57 : memref<1x128x8xf32, #tpu.memory_space<vmem>> -> memref<128x8xf32, #tpu.memory_space<vmem>>
        %dma_wait3A_59 = arith.constant 0 : i32
        %dma_wait3A_60 = tpu.memref_slice %arg8[%scan3A_43, %dma_wait3A_59] : memref<4x128xi32, #tpu.memory_space<vmem>> -> memref<1x128xi32, #tpu.memory_space<vmem>>
        %dma_wait3A_61 = tpu.memref_squeeze %dma_wait3A_60 : memref<1x128xi32, #tpu.memory_space<vmem>> -> memref<128xi32, #tpu.memory_space<vmem>>
        %dma_wait3A_62 = arith.constant 0 : i32
        %dma_wait3A_63 = arith.constant 0 : i32
        %dma_wait3A_64 = tpu.memref_slice %arg10[%dma_wait3A_62, %dma_wait3A_63] : memref<102400x8xf32, #tpu.memory_space<vmem_shared>> -> memref<102400x8xf32, #tpu.memory_space<vmem_shared>>
        tpu.wait_indirect_dma semaphore(%run_scoped3A_47 : memref<!tpu.dma_semaphore, #tpu.memory_space<semaphore_mem>>) src(%dma_wait3A_58 : memref<128x8xf32, #tpu.memory_space<vmem>>) dst(%dma_wait3A_64 : memref<102400x8xf32, #tpu.memory_space<vmem_shared>>)
        tpu.yield
      }) : () -> ()
    }
    %scan3A_41 = arith.constant 4 : i32
    %barrier3A_42 = arith.constant 0 : index
    tpu.barrier barrier_id(%barrier3A_42)
    "tpu.region"() ({
      %run_scoped3A_43 = tpu.sem_alloc : memref<!tpu.dma_semaphore, #tpu.memory_space<semaphore_mem>>
      %dma_start3A = arith.constant 0 : i32
      %dma_start3A_44 = tpu.memref_slice %arg6[%arg0, %mul3A_2, %dma_start3A] : memref<2x102400x8xf32, #tpu.memory_space<hbm>> -> memref<1x6400x8xf32, #tpu.memory_space<hbm>>
      %dma_start3A_45 = tpu.memref_squeeze %dma_start3A_44 : memref<1x6400x8xf32, #tpu.memory_space<hbm>> -> memref<6400x8xf32, #tpu.memory_space<hbm>>
      %dma_start3A_46 = arith.constant 0 : i32
      %dma_start3A_47 = tpu.memref_slice %arg10[%mul3A_2, %dma_start3A_46] : memref<102400x8xf32, #tpu.memory_space<vmem_shared>> -> memref<6400x8xf32, #tpu.memory_space<vmem_shared>>
      tpu.enqueue_dma source(%dma_start3A_47 : memref<6400x8xf32, #tpu.memory_space<vmem_shared>>) target(%dma_start3A_45 : memref<6400x8xf32, #tpu.memory_space<hbm>>) target_semaphore(%run_scoped3A_43 : memref<!tpu.dma_semaphore, #tpu.memory_space<semaphore_mem>>)
      %dma_wait3A_48 = arith.constant 0 : i32
      %dma_wait3A_49 = tpu.memref_slice %arg6[%arg0, %mul3A_2, %dma_wait3A_48] : memref<2x102400x8xf32, #tpu.memory_space<hbm>> -> memref<1x6400x8xf32, #tpu.memory_space<hbm>>
      %dma_wait3A_50 = tpu.memref_squeeze %dma_wait3A_49 : memref<1x6400x8xf32, #tpu.memory_space<hbm>> -> memref<6400x8xf32, #tpu.memory_space<hbm>>
      %dma_wait3A_51 = arith.constant 0 : i32
      %dma_wait3A_52 = tpu.memref_slice %arg10[%mul3A_2, %dma_wait3A_51] : memref<102400x8xf32, #tpu.memory_space<vmem_shared>> -> memref<6400x8xf32, #tpu.memory_space<vmem_shared>>
      tpu.wait_dma2 semaphore(%run_scoped3A_43 : memref<!tpu.dma_semaphore, #tpu.memory_space<semaphore_mem>>) src(%dma_wait3A_52 : memref<6400x8xf32, #tpu.memory_space<vmem_shared>>) dst(%dma_wait3A_50 : memref<6400x8xf32, #tpu.memory_space<hbm>>)
      tpu.yield
    }) : () -> ()
    return
  }
}

module attributes {stable_mosaic.version = 14 : i64} {
  func.func @_prep_body(%arg0: i32, %arg1: memref<4000x1xf32, #tpu.memory_space<vmem>>, %arg2: memref<4000x1xf32, #tpu.memory_space<vmem>>, %arg3: memref<4000x8xf32, #tpu.memory_space<vmem>>, %arg4: memref<4000x1xf32, #tpu.memory_space<vmem>>, %arg5: memref<4000x8xf32, #tpu.memory_space<vmem>>) attributes {dimension_semantics = [#tpu.dimension_semantics<arbitrary>], iteration_bounds = array<i64: 25>, scalar_prefetch = 0 : i64, scratch_operands = 0 : i64, tpu.core_type = #tpu.core_type<tc>, window_params = [{transform_indices = @transform_0, window_bounds = array<i64: 4000, 1>}, {transform_indices = @transform_1, window_bounds = array<i64: 4000, 1>}, {transform_indices = @transform_2, window_bounds = array<i64: 4000, 8>}, {transform_indices = @transform_3, window_bounds = array<i64: 4000, 1>}, {transform_indices = @transform_4, window_bounds = array<i64: 4000, 8>}]} {
    %get3A = arith.constant 0 : index
    %get3A_0 = arith.constant 0 : index
    %get3A_1 = vector.load %arg1[%get3A, %get3A_0] : memref<4000x1xf32, #tpu.memory_space<vmem>>, vector<4000x1xf32>
    %get3A_2 = arith.constant 0 : index
    %get3A_3 = arith.constant 0 : index
    %get3A_4 = vector.load %arg2[%get3A_2, %get3A_3] : memref<4000x1xf32, #tpu.memory_space<vmem>>, vector<4000x1xf32>
    %add3A = arith.addf %get3A_1, %get3A_4 : vector<4000x1xf32>
    %add3A_5 = arith.constant 1.000000e+00 : f32
    %add3A_6 = vector.broadcast %add3A_5 : f32 to vector<4000x1xf32>
    %add3A_7 = arith.addf %add3A, %add3A_6 : vector<4000x1xf32>
    %rsqrt3A = math.rsqrt %add3A_7 : vector<4000x1xf32>
    %swap3A = arith.constant 0 : index
    %swap3A_8 = arith.constant 0 : index
    %swap3A_9 = vector.load %arg4[%swap3A, %swap3A_8] : memref<4000x1xf32, #tpu.memory_space<vmem>>, vector<4000x1xf32>
    tpu.vector_store %arg4[%swap3A, %swap3A_8], %rsqrt3A {strides = array<i32>} : memref<4000x1xf32, #tpu.memory_space<vmem>>, vector<4000x1xf32>,
    %get3A_10 = arith.constant 0 : index
    %get3A_11 = arith.constant 0 : index
    %get3A_12 = vector.load %arg3[%get3A_10, %get3A_11] : memref<4000x8xf32, #tpu.memory_space<vmem>>, vector<4000x8xf32>
    %mul3A = vector.broadcast %rsqrt3A : vector<4000x1xf32> to vector<4000x8xf32>
    %mul3A_13 = arith.mulf %get3A_12, %mul3A : vector<4000x8xf32>
    %swap3A_14 = arith.constant 0 : index
    %swap3A_15 = arith.constant 0 : index
    %swap3A_16 = vector.load %arg5[%swap3A_14, %swap3A_15] : memref<4000x8xf32, #tpu.memory_space<vmem>>, vector<4000x8xf32>
    tpu.vector_store %arg5[%swap3A_14, %swap3A_15], %mul3A_13 {strides = array<i32>} : memref<4000x8xf32, #tpu.memory_space<vmem>>, vector<4000x8xf32>,
    return
  }
  func.func @transform_0(%arg0: i32) -> (i32, i32) {
    %c0_i32 = arith.constant 0 : i32
    %c0_i32_0 = arith.constant 0 : i32
    return %arg0, %c0_i32 : i32, i32
  }
  func.func @transform_1(%arg0: i32) -> (i32, i32) {
    %c0_i32 = arith.constant 0 : i32
    %c0_i32_0 = arith.constant 0 : i32
    return %arg0, %c0_i32 : i32, i32
  }
  func.func @transform_2(%arg0: i32) -> (i32, i32) {
    %c0_i32 = arith.constant 0 : i32
    %c0_i32_0 = arith.constant 0 : i32
    return %arg0, %c0_i32 : i32, i32
  }
  func.func @transform_3(%arg0: i32) -> (i32, i32) {
    %c0_i32 = arith.constant 0 : i32
    %c0_i32_0 = arith.constant 0 : i32
    return %arg0, %c0_i32 : i32, i32
  }
  func.func @transform_4(%arg0: i32) -> (i32, i32) {
    %c0_i32 = arith.constant 0 : i32
    %c0_i32_0 = arith.constant 0 : i32
    return %arg0, %c0_i32 : i32, i32
  }
}

module attributes {stable_mosaic.version = 14 : i64} {
  func.func @_mid_body(%arg0: i32, %arg1: memref<4000x8xf32, #tpu.memory_space<vmem>>, %arg2: memref<4000x8xf32, #tpu.memory_space<vmem>>, %arg3: memref<4000x8xf32, #tpu.memory_space<vmem>>, %arg4: memref<4000x1xf32, #tpu.memory_space<vmem>>, %arg5: memref<8x64xf32, #tpu.memory_space<vmem>>, %arg6: memref<1x64xf32, #tpu.memory_space<vmem>>, %arg7: memref<64x16xf32, #tpu.memory_space<vmem>>, %arg8: memref<4000x16xf32, #tpu.memory_space<vmem>>) attributes {dimension_semantics = [#tpu.dimension_semantics<arbitrary>], iteration_bounds = array<i64: 25>, scalar_prefetch = 0 : i64, scratch_operands = 0 : i64, tpu.core_type = #tpu.core_type<tc>, window_params = [{transform_indices = @transform_0, window_bounds = array<i64: 4000, 8>}, {transform_indices = @transform_1, window_bounds = array<i64: 4000, 8>}, {transform_indices = @transform_2, window_bounds = array<i64: 4000, 8>}, {transform_indices = @transform_3, window_bounds = array<i64: 4000, 1>}, {pipeline_mode = #tpu.pipeline_mode<synchronous>, transform_indices = @transform_4, window_bounds = array<i64: 8, 64>}, {pipeline_mode = #tpu.pipeline_mode<synchronous>, transform_indices = @transform_5, window_bounds = array<i64: 1, 64>}, {pipeline_mode = #tpu.pipeline_mode<synchronous>, transform_indices = @transform_6, window_bounds = array<i64: 64, 16>}, {transform_indices = @transform_7, window_bounds = array<i64: 4000, 16>}]} {
    %get3A = arith.constant 0 : index
    %get3A_0 = arith.constant 0 : index
    %get3A_1 = vector.load %arg1[%get3A, %get3A_0] : memref<4000x8xf32, #tpu.memory_space<vmem>>, vector<4000x8xf32>
    %get3A_2 = arith.constant 0 : index
    %get3A_3 = arith.constant 0 : index
    %get3A_4 = vector.load %arg2[%get3A_2, %get3A_3] : memref<4000x8xf32, #tpu.memory_space<vmem>>, vector<4000x8xf32>
    %add3A = arith.addf %get3A_1, %get3A_4 : vector<4000x8xf32>
    %get3A_5 = arith.constant 0 : index
    %get3A_6 = arith.constant 0 : index
    %get3A_7 = vector.load %arg3[%get3A_5, %get3A_6] : memref<4000x8xf32, #tpu.memory_space<vmem>>, vector<4000x8xf32>
    %add3A_8 = arith.addf %add3A, %get3A_7 : vector<4000x8xf32>
    %get3A_9 = arith.constant 0 : index
    %get3A_10 = arith.constant 0 : index
    %get3A_11 = vector.load %arg4[%get3A_9, %get3A_10] : memref<4000x1xf32, #tpu.memory_space<vmem>>, vector<4000x1xf32>
    %mul3A = vector.broadcast %get3A_11 : vector<4000x1xf32> to vector<4000x8xf32>
    %mul3A_12 = arith.mulf %add3A_8, %mul3A : vector<4000x8xf32>
    %get3A_13 = arith.constant 0 : index
    %get3A_14 = arith.constant 0 : index
    %get3A_15 = vector.load %arg5[%get3A_13, %get3A_14] : memref<8x64xf32, #tpu.memory_space<vmem>>, vector<8x64xf32>
    %dot_general3A = arith.constant dense<0.000000e+00> : vector<4000x64xf32>
    %dot_general3A_16 = tpu.matmul %mul3A_12, %get3A_15, %dot_general3A {dimension_numbers = #tpu.dot_dimension_numbers<[1], [0], [0], [1], [0, 0, 1, 1], [], []>, transpose_lhs_hint = false} : vector<4000x8xf32>, vector<8x64xf32>, vector<4000x64xf32> -> vector<4000x64xf32>
    %get3A_17 = arith.constant 0 : index
    %get3A_18 = arith.constant 0 : index
    %get3A_19 = vector.load %arg6[%get3A_17, %get3A_18] : memref<1x64xf32, #tpu.memory_space<vmem>>, vector<1x64xf32>
    %add3A_20 = vector.broadcast %get3A_19 : vector<1x64xf32> to vector<4000x64xf32>
    %add3A_21 = arith.addf %dot_general3A_16, %add3A_20 : vector<4000x64xf32>
    %max3A = arith.constant 0.000000e+00 : f32
    %max3A_22 = vector.broadcast %max3A : f32 to vector<4000x64xf32>
    %max3A_23 = arith.maximumf %add3A_21, %max3A_22 : vector<4000x64xf32>
    %get3A_24 = arith.constant 0 : index
    %get3A_25 = arith.constant 0 : index
    %get3A_26 = vector.load %arg7[%get3A_24, %get3A_25] : memref<64x16xf32, #tpu.memory_space<vmem>>, vector<64x16xf32>
    %dot_general3A_27 = arith.constant dense<0.000000e+00> : vector<4000x16xf32>
    %dot_general3A_28 = tpu.matmul %max3A_23, %get3A_26, %dot_general3A_27 {dimension_numbers = #tpu.dot_dimension_numbers<[1], [0], [0], [1], [0, 0, 1, 1], [], []>, transpose_lhs_hint = false} : vector<4000x64xf32>, vector<64x16xf32>, vector<4000x16xf32> -> vector<4000x16xf32>
    %get3A_29 = arith.constant 0 : index
    %get3A_30 = arith.constant 0 : index
    %get3A_31 = vector.load %arg4[%get3A_29, %get3A_30] : memref<4000x1xf32, #tpu.memory_space<vmem>>, vector<4000x1xf32>
    %mul3A_32 = vector.broadcast %get3A_31 : vector<4000x1xf32> to vector<4000x16xf32>
    %mul3A_33 = arith.mulf %dot_general3A_28, %mul3A_32 : vector<4000x16xf32>
    %swap3A = arith.constant 0 : index
    %swap3A_34 = arith.constant 0 : index
    %swap3A_35 = vector.load %arg8[%swap3A, %swap3A_34] : memref<4000x16xf32, #tpu.memory_space<vmem>>, vector<4000x16xf32>
    tpu.vector_store %arg8[%swap3A, %swap3A_34], %mul3A_33 {strides = array<i32>} : memref<4000x16xf32, #tpu.memory_space<vmem>>, vector<4000x16xf32>,
    return
  }
  func.func @transform_0(%arg0: i32) -> (i32, i32) {
    %c0_i32 = arith.constant 0 : i32
    %c0_i32_0 = arith.constant 0 : i32
    return %arg0, %c0_i32 : i32, i32
  }
  func.func @transform_1(%arg0: i32) -> (i32, i32) {
    %c0_i32 = arith.constant 0 : i32
    %c0_i32_0 = arith.constant 0 : i32
    return %arg0, %c0_i32 : i32, i32
  }
  func.func @transform_2(%arg0: i32) -> (i32, i32) {
    %c0_i32 = arith.constant 0 : i32
    %c0_i32_0 = arith.constant 0 : i32
    return %arg0, %c0_i32 : i32, i32
  }
  func.func @transform_3(%arg0: i32) -> (i32, i32) {
    %c0_i32 = arith.constant 0 : i32
    %c0_i32_0 = arith.constant 0 : i32
    return %arg0, %c0_i32 : i32, i32
  }
  func.func @transform_4(%arg0: i32) -> (i32, i32) {
    %c0_i32 = arith.constant 0 : i32
    %c0_i32_0 = arith.constant 0 : i32
    %c0_i32_1 = arith.constant 0 : i32
    return %c0_i32, %c0_i32_0 : i32, i32
  }
  func.func @transform_5(%arg0: i32) -> (i32, i32) {
    %c0_i32 = arith.constant 0 : i32
    %c0_i32_0 = arith.constant 0 : i32
    %c0_i32_1 = arith.constant 0 : i32
    return %c0_i32, %c0_i32_0 : i32, i32
  }
  func.func @transform_6(%arg0: i32) -> (i32, i32) {
    %c0_i32 = arith.constant 0 : i32
    %c0_i32_0 = arith.constant 0 : i32
    %c0_i32_1 = arith.constant 0 : i32
    return %c0_i32, %c0_i32_0 : i32, i32
  }
  func.func @transform_7(%arg0: i32) -> (i32, i32) {
    %c0_i32 = arith.constant 0 : i32
    %c0_i32_0 = arith.constant 0 : i32
    return %arg0, %c0_i32 : i32, i32
  }
}

module attributes {stable_mosaic.version = 14 : i64} {
  func.func @_post_body(%arg0: i32, %arg1: memref<4000x16xf32, #tpu.memory_space<vmem>>, %arg2: memref<4000x16xf32, #tpu.memory_space<vmem>>, %arg3: memref<4000x16xf32, #tpu.memory_space<vmem>>, %arg4: memref<4000x1xf32, #tpu.memory_space<vmem>>, %arg5: memref<1x16xf32, #tpu.memory_space<vmem>>, %arg6: memref<4000x16xf32, #tpu.memory_space<vmem>>) attributes {dimension_semantics = [#tpu.dimension_semantics<arbitrary>], iteration_bounds = array<i64: 25>, scalar_prefetch = 0 : i64, scratch_operands = 0 : i64, tpu.core_type = #tpu.core_type<tc>, window_params = [{transform_indices = @transform_0, window_bounds = array<i64: 4000, 16>}, {transform_indices = @transform_1, window_bounds = array<i64: 4000, 16>}, {transform_indices = @transform_2, window_bounds = array<i64: 4000, 16>}, {transform_indices = @transform_3, window_bounds = array<i64: 4000, 1>}, {pipeline_mode = #tpu.pipeline_mode<synchronous>, transform_indices = @transform_4, window_bounds = array<i64: 1, 16>}, {transform_indices = @transform_5, window_bounds = array<i64: 4000, 16>}]} {
    %get3A = arith.constant 0 : index
    %get3A_0 = arith.constant 0 : index
    %get3A_1 = vector.load %arg1[%get3A, %get3A_0] : memref<4000x16xf32, #tpu.memory_space<vmem>>, vector<4000x16xf32>
    %get3A_2 = arith.constant 0 : index
    %get3A_3 = arith.constant 0 : index
    %get3A_4 = vector.load %arg2[%get3A_2, %get3A_3] : memref<4000x16xf32, #tpu.memory_space<vmem>>, vector<4000x16xf32>
    %add3A = arith.addf %get3A_1, %get3A_4 : vector<4000x16xf32>
    %get3A_5 = arith.constant 0 : index
    %get3A_6 = arith.constant 0 : index
    %get3A_7 = vector.load %arg3[%get3A_5, %get3A_6] : memref<4000x16xf32, #tpu.memory_space<vmem>>, vector<4000x16xf32>
    %add3A_8 = arith.addf %add3A, %get3A_7 : vector<4000x16xf32>
    %get3A_9 = arith.constant 0 : index
    %get3A_10 = arith.constant 0 : index
    %get3A_11 = vector.load %arg4[%get3A_9, %get3A_10] : memref<4000x1xf32, #tpu.memory_space<vmem>>, vector<4000x1xf32>
    %mul3A = vector.broadcast %get3A_11 : vector<4000x1xf32> to vector<4000x16xf32>
    %mul3A_12 = arith.mulf %add3A_8, %mul3A : vector<4000x16xf32>
    %get3A_13 = arith.constant 0 : index
    %get3A_14 = arith.constant 0 : index
    %get3A_15 = vector.load %arg5[%get3A_13, %get3A_14] : memref<1x16xf32, #tpu.memory_space<vmem>>, vector<1x16xf32>
    %add3A_16 = vector.broadcast %get3A_15 : vector<1x16xf32> to vector<4000x16xf32>
    %add3A_17 = arith.addf %mul3A_12, %add3A_16 : vector<4000x16xf32>
    %swap3A = arith.constant 0 : index
    %swap3A_18 = arith.constant 0 : index
    %swap3A_19 = vector.load %arg6[%swap3A, %swap3A_18] : memref<4000x16xf32, #tpu.memory_space<vmem>>, vector<4000x16xf32>
    tpu.vector_store %arg6[%swap3A, %swap3A_18], %add3A_17 {strides = array<i32>} : memref<4000x16xf32, #tpu.memory_space<vmem>>, vector<4000x16xf32>,
    return
  }
  func.func @transform_0(%arg0: i32) -> (i32, i32) {
    %c0_i32 = arith.constant 0 : i32
    %c0_i32_0 = arith.constant 0 : i32
    return %arg0, %c0_i32 : i32, i32
  }
  func.func @transform_1(%arg0: i32) -> (i32, i32) {
    %c0_i32 = arith.constant 0 : i32
    %c0_i32_0 = arith.constant 0 : i32
    return %arg0, %c0_i32 : i32, i32
  }
  func.func @transform_2(%arg0: i32) -> (i32, i32) {
    %c0_i32 = arith.constant 0 : i32
    %c0_i32_0 = arith.constant 0 : i32
    return %arg0, %c0_i32 : i32, i32
  }
  func.func @transform_3(%arg0: i32) -> (i32, i32) {
    %c0_i32 = arith.constant 0 : i32
    %c0_i32_0 = arith.constant 0 : i32
    return %arg0, %c0_i32 : i32, i32
  }
  func.func @transform_4(%arg0: i32) -> (i32, i32) {
    %c0_i32 = arith.constant 0 : i32
    %c0_i32_0 = arith.constant 0 : i32
    %c0_i32_1 = arith.constant 0 : i32
    return %c0_i32, %c0_i32_0 : i32, i32
  }
  func.func @transform_5(%arg0: i32) -> (i32, i32) {
    %c0_i32 = arith.constant 0 : i32
    %c0_i32_0 = arith.constant 0 : i32
    return %arg0, %c0_i32 : i32, i32
  }
}

</mosaic_0001>

<sc_bundles>
// kernel: kernel.11.cloned.1.call-start
scs
__scs_entry_jumppad:
0x0: {  	(pc) =	sbr.rel $0x88, $3  }
0x1: {  	(tag) =	ssettag $0x0;
	lr =	simm.s32 $0x1  }
0x2: {  	[smem:$0x3F9B] =	sst lr;
	_ =	strace $0xD0000000  }
0x3: {  	_ = 	snop  }
0x4: {  	_ = 	snop  }
0x5: {  	_ = 	snop  }
0x6: {  	_ = 	snop  }
0x7: {  	_ = 	snop  }
__scs_overlays_trampoline_lowered:
0x8: {  	[smem:$0x3FAA] =	sst s0  }
0x9: {  	[smem:$0x3FAB] =	sst s1  }
0xa: {  	[smem:$0x3FAC] =	sst s2  }
0xb: {  	[smem:$0x3FAD] =	sst s3  }
0xc: {  	[smem:$0x3FAE] =	sst s4  }
0xd: {  	[smem:$0x3FAF] =	sst s5  }
0xe: {  	[smem:$0x3FB0] =	sst s6  }
0xf: {  	[smem:$0x3FB1] =	sst s7  }
0x10: {  	[smem:$0x3FB2] =	sst s8  }
0x11: {  	[smem:$0x3FB3] =	sst s9;
	s0 =	simm.s32 @!p0 $0x0  }
0x12: {  	s1 =	sld [smem:$0x3F99];
	s0 =	simm.s32 @p0 $0x1  }
0x13: {  	[smem:$0x3FB4] =	sst s0;
	s0 =	simm.s32 @!p1 $0x0  }
0x14: {  	s2 =	sld [smem:$0x3F98];
	s0 =	simm.s32 @p1 $0x1  }
0x15: {  	[smem:$0x3FB5] =	sst s0;
	s0 =	simm.s32 @!p2 $0x0  }
0x16: {  	s3 =	sld [smem:$0x3FDB];
	s0 =	simm.s32 @p2 $0x1  }
0x17: {  	s4 =	simm.s32 $0x1BF5;
	[smem:$0x3FB7] =	sst s0  }
0x18: {  	s0 =	sld [smem:$0x3F9A];
	_ =	swait.ge [sflag:s4], $0x0  }
0x19: {  	s7 =	sld [smem:$0x3F9B]  }
0x1a: {  	s8 =	sadd.s32 $0xFFFFE003, lr  }
0x1b: {  	s9 =	sadd.s32 $0xFFFFFEF7, lr;
	s5 =	simm.s32 $0xFFFFFFFF;
	p2 =	slt.u32 s8, $0xFFFFF086  }
0x1c: {  	p1 =	slt.u32 s9, $0xF7A;
	s5 =	simm.s32 @!p2 $0x0  }
0x1d: {  	s5 =	simm.s32 @p1 $0x1;
	p0 =	seq.s32 s7, s2  }
0x1e: {  	s7 =	smul.u32 @!p0 $0xF7A, s2;
	p2 =	seq.s32 @!p0 s5, $0x0  }
0x1f: {  	s9 =	smul.u32 $0xF7A, s1;
	s8 =	simm.s32 @!p0 $0x1BF5;
	p2 =	por !p2, p0  }
0x20: {  	[sflag:s8] =	ssyncset.s32 @!p0 $0xFFFFF086;
	s6 =	sadd.s32 @!p0 s3, s7;
	s7 =	simm.s32 @!p0 $0x108  }
0x21: {  	s3 =	sadd.s32 s3, s9;
	s6 =	sadd.s32 @!p0 $0x88, s6;
	s7 =	simm.s32 @p2 $0x1082  }
0x22: {  	[simem:s7], [sflag:s8] =	dma.local @!p0 [hbm:s6], $0xF7A  }
0x23: {  	s9 =	sor.u32 $0xD0000000, s2;
	s6 =	simm.s32 $0x108;
	_ =	swait.ge @!p0 [sflag:s8], $0x0  }
0x24: {  	s3 =	sadd.s32 $0x88, s3;
	s6 =	simm.s32 @!p1 $0x1082;
	[sflag:s4] =	ssyncset.s32 $0xFFFFF086  }
0x25: {  	[simem:s6], [sflag:s4] =	dma.local [hbm:s3], $0xF7A  }
0x26: {  	[smem:$0x3F9B] =	sst s1;
	(tag) =	ssettag s2;
	_ =	strace s9  }
0x27: {  	s1 =	sld [smem:$0x3FAB]  }
0x28: {  	s2 =	sld [smem:$0x3FAC]  }
0x29: {  	s4 =	sld [smem:$0x3FAE]  }
0x2a: {  	p0 =	seq.s32 s5, $0x0;
	s5 =	sld [smem:$0x3FAF]  }
0x2b: {  	s6 =	sld [smem:$0x3FB0]  }
0x2c: {  	s7 =	sld [smem:$0x3FB1]  }
0x2d: {  	s3 =	simm.s32 $0x108;
	s8 =	sld [smem:$0x3FB2]  }
0x2e: {  	s3 =	simm.s32 @!p0 $0x1082;
	s9 =	sld [smem:$0x3FB3]  }
0x2f: {  	lr =	sadd.s32 s0, s3;
	s0 =	sld [smem:$0x3FAA]  }
0x30: {  	s3 =	sld [smem:$0x3FAD]  }
0x31: {  	[smem:$0x3FB6] =	sst s10  }
0x32: {  	s10 =	sld [smem:$0x3FB4];
	_ =	sdelay $0x3  }
0x33: {  	p0 =	seq.s32 s10, $0x1;
	s10 =	sld [smem:$0x3FB6];
	_ =	sdelay $0x3  }
0x34: {  	[smem:$0x3FB6] =	sst s10  }
0x35: {  	s10 =	sld [smem:$0x3FB5];
	_ =	sdelay $0x3  }
0x36: {  	p1 =	seq.s32 s10, $0x1;
	s10 =	sld [smem:$0x3FB6];
	_ =	sdelay $0x3  }
0x37: {  	[smem:$0x3FB6] =	sst s10  }
0x38: {  	s10 =	sld [smem:$0x3FB7]  }
0x39: {  	_ = 	snop;
	(pc) =	sbr.ind lr, $3  }
0x3a: {  	_ = 	snop  }
0x3b: {  	_ = 	snop  }
0x3c: {  	p2 =	seq.s32 s10, $0x1;
	s10 =	sld [smem:$0x3FB6]  }
0x3d: {  	_ =	shalt  }
0x3e: {  	_ =	shalt  }
0x3f: {  	_ =	shalt  }
0x40: {  	_ =	shalt  }
0x41: {  	_ =	shalt  }
0x42: {  	_ =	shalt  }
0x43: {  	_ =	shalt  }
0x44: {  	_ =	shalt  }
0x45: {  	_ =	shalt  }
0x46: {  	_ =	shalt  }
0x47: {  	_ =	shalt  }
0x48: {  	_ =	shalt  }
0x49: {  	_ =	shalt  }
0x4a: {  	_ =	shalt  }
0x4b: {  	_ =	shalt  }
0x4c: {  	_ =	shalt  }
0x4d: {  	_ =	shalt  }
0x4e: {  	_ =	shalt  }
0x4f: {  	_ =	shalt  }
0x50: {  	_ =	shalt  }
0x51: {  	_ =	shalt  }
0x52: {  	_ =	shalt  }
0x53: {  	_ =	shalt  }
0x54: {  	_ =	shalt  }
0x55: {  	_ =	shalt  }
0x56: {  	_ =	shalt  }
0x57: {  	_ =	shalt  }
0x58: {  	_ =	shalt  }
0x59: {  	_ =	shalt  }
0x5a: {  	_ =	shalt  }
0x5b: {  	_ =	shalt  }
0x5c: {  	_ =	shalt  }
0x5d: {  	_ =	shalt  }
0x5e: {  	_ =	shalt  }
0x5f: {  	_ =	shalt  }
0x60: {  	_ =	shalt  }
0x61: {  	_ =	shalt  }
0x62: {  	_ =	shalt  }
0x63: {  	_ =	shalt  }
0x64: {  	_ =	shalt  }
0x65: {  	_ =	shalt  }
0x66: {  	_ =	shalt  }
0x67: {  	_ =	shalt  }
0x68: {  	_ =	shalt  }
0x69: {  	_ =	shalt  }
0x6a: {  	_ =	shalt  }
0x6b: {  	_ =	shalt  }
0x6c: {  	_ =	shalt  }
0x6d: {  	_ =	shalt  }
0x6e: {  	_ =	shalt  }
0x6f: {  	_ =	shalt  }
0x70: {  	_ =	shalt  }
0x71: {  	_ =	shalt  }
0x72: {  	_ =	shalt  }
0x73: {  	_ =	shalt  }
0x74: {  	_ =	shalt  }
0x75: {  	_ =	shalt  }
0x76: {  	_ =	shalt  }
0x77: {  	_ =	shalt  }
0x78: {  	_ =	shalt  }
0x79: {  	_ =	shalt  }
0x7a: {  	_ =	shalt  }
0x7b: {  	_ =	shalt  }
0x7c: {  	_ =	shalt  }
0x7d: {  	_ =	shalt  }
0x7e: {  	_ =	shalt  }
0x7f: {  	_ =	shalt  }
0x80: {  	_ =	shalt  }
0x81: {  	_ =	shalt  }
0x82: {  	_ =	shalt  }
0x83: {  	_ =	shalt  }
0x84: {  	_ =	shalt  }
0x85: {  	_ =	shalt  }
0x86: {  	_ =	shalt  }
0x87: {  	_ =	shalt  }
.Lfunc_end0:
.L_simem_size_0:
called_computation.1_lowered:
.L_overlay_start_0:
0x88: {  	s2 =	sld [smem:$0x3FD9]  }
0x89: {  	s3 =	sld [smem:$0x3FFE];
	_ =	sdelay $0x1  }
0x8a: {  	s1 =	srdreg.scid  }
0x8b: {  	s0 =	sand.u32 $0x1, s1  }
0x8c: {  	s17 =	sshll.u32 s0, $0xA;
	s2 =	sadd.s32 s3, s2  }
0x8d: {  	s2 =	sadd.s32 s2, s17  }
0x8e: {  	[smem:$0x3FC2] =	sst s2  }
0x8f: {  	_ = 	snop  }
0x90: {  	s2 =	sld [smem:$0x3FD0];
	(tm) =	ssettm $0x1  }
0x91: {  	s18 =	sld [smem:$0x3FFB];
	_ =	sdelay $0x3  }
0x92: {  	_ =	strace s18  }
0x93: {  	s3 =	sld [smem:$0x3FFC];
	_ =	sdelay $0x3  }
0x94: {  	_ =	strace s3  }
0x95: {  	s3 =	sld [smem:$0x3FFD];
	_ =	sdelay $0x3  }
0x96: {  	_ =	strace s3  }
0x97: {  	_ =	strace $0x8FFFFFFF  }
0x98: {  	s19 =	sld [smem:$0x3FDB];
	_ =	sdelay $0x1  }
0x99: {  	s4 =	simm.s32 $_scs_section_size  }
0x9a: {  	s5 =	simm.s32 $_size__tile_overlayer_lowered;
	s6 =	simm.s32 $_tile_overlayer_lowered  }
0x9b: {  	s22 =	simm.s32 $0x1BFF;
	s21 =	sshll.u32 s6, $0x1;
	s3 =	sadd.s32 s4, s19  }
0x9c: {  	s7 =	simm.s32 $0x0;
	s20 =	sshll.u32 s5, $0x1;
	s5 =	sadd.s32 s21, s3  }
0x9d: {  	[timem:s7], [sflag:s22] =	dma.local [hbm:s5], s20  }
0x9e: {  	_ =	swait.ge [sflag:s22], s20  }
0x9f: {  	s4 =	ssub.s32 $0x0, s20;
	[sflag:s22] =	ssyncset.done $0x0  }
0xa0: {  	[sflag:s22] =	ssyncadd.s32 s4;
	_ =	sdelay $0x1  }
0xa1: {  	s23 =	simm.s32 $0x1B8B  }
0xa2: {  	_ =	swait.ge [sflag:s23], $0x1  }
0xa3: {  	[sflag:s23] =	ssyncset.done $0x0  }
0xa4: {  	s25 =	simm.s32 $0x1B8E;
	s24 =	sld [smem:$0x3FFE];
	[sflag:s23] =	ssyncadd.s32 $0xFFFFFFFF  }
0xa5: {  	s26 =	simm.s32 $execute0_lowered;
	[smem:$0x3FD2] =	sst s25  }
0xa6: {  	s5 =	sshll.u32 s26, $0x1;
	_ =	strace $0x80000049;
	[dreg:$0x1] =	wrdreg $0xFFFFFFFF  }
0xa7: {  	s28 =	simm.s32 $_size_execute0_lowered;
	s3 =	sadd.s32 s3, s5;
	[dreg:$0x0] =	wrdreg $0x0  }
0xa8: {  	s5 =	sshll.u32 s28, $0x1;
	[dreg:$0x2] =	wrdreg s3  }
0xa9: {  	[dreg:$0x3] =	wrdreg s5  }
0xaa: {  	[dreg:$0x4] =	wrdreg $0xC0  }
0xab: {  	_ =	task [dreg:s7], $0x5FFFF  }
0xac: {  	[dreg:$0x1] =	wrdreg $0xFFFFFFFF  }
0xad: {  	[dreg:$0x0] =	wrdreg $0x60  }
0xae: {  	[dreg:$0x2] =	wrdreg s2  }
0xaf: {  	[dreg:$0x3] =	wrdreg s24  }
0xb0: {  	[dreg:$0x4] =	wrdreg $0x26000  }
0xb1: {  	[dreg:$0x5] =	wrdreg $0x9  }
0xb2: {  	_ =	task.clear_ibuf [dreg:s7], $0x6FFFF;
	_ =	strace $0x90000049  }
0xb3: {  	s29 =	simm.s32 $0x9;
	_ =	strace $0x8000004B  }
0xb4: {  	_ =	swait.ge [sflag:s29], $0x1  }
0xb5: {  	[sflag:s29] =	ssyncadd.s32 $0xFFFFFFFF  }
0xb6: {  	_ =	strace $0x9000004B  }
0xb7: {  	_ =	sfence  }
0xb8: {  	s30 =	sld [smem:$0x0];
	_ =	sdelay $0x2  }
0xb9: {  	s31 =	sshll.u32 s1, $0xD;
	s1 =	sshrl.u32 s1, $0x2  }
0xba: {  	s3 =	sand.u32 $0x4000, s31;
	s1 =	sadd.s32 s1, s30  }
0xbb: {  	s0 =	sor.u32 s3, s0;
	s1 =	sshll.u32 s1, $0x11  }
0xbc: {  	s0 =	sor.u32 s1, s0  }
0xbd: {  	s0 =	sadd.s32 $0x8F2B, s0  }
0xbe: {  	[sflag:s0] =	ssyncadd.remote.s32 $0x1  }
0xbf: {  	_ =	sfence.sel $0xFFFF  }
0xc0: {  	[dreg:$0x0] =	wrdreg $0xFFFFFFFF;
	(pc) =	sbr.abs _section_cstart, $3  }
0xc1: {  	[dreg:$0x1] =	wrdreg $0xFFFFFFFF  }
0xc2: {  	_ =	task.clear_ibuf [dreg:s7], $0x2FFFF;
	_ =	strace $0x9FFFFFFF  }
0xc3: {  	(tm) =	ssettm $0x7FFFFFFF  }
tec
execute0_lowered:
.L_overlay_start_1:
0x0: {  	(tag) =	ssettag $0x1  }
0x1: {  	s1 =	rddreg [dreg:$0x0]  }
0x2: {  	s0 =	rddreg [dreg:$0x1]  }
0x3: {  	s3 =	rddreg [dreg:$0x2];
	s4 =	simm.s32 $0x0  }
0x4: {  	s2 =	srdreg.scid;
	s16 =	stileid.u32;
	s22 =	simm.s32 $0x400  }
0x5: {  	s29 =	simm.s32 $0x1A00;
	s30 =	simm.s32 $0x1E00;
	s6 =	smul.u32 $0xC800, s16  }
0x6: {  	s31 =	simm.s32 $0x2200;
	s2 =	sand.u32 $0x1, s2;
	s25 =	smul.u32 $0x19000, s16  }
0x7: {  	s8 =	sshll.u32 s16, $0x1;
	s24 =	sshll.u32 s16, $0x6;
	s16 =	smul.u32 $0x3200, s16  }
0x8: {  	[smem:$0x7FF] =	sst s4;
	s12 =	sadd.s32 $0x1EDA00, s0;
	s7 =	smul.u32 $0xC8000, s2  }
0x9: {  	s11 =	sadd.s32 $0x1600, s0;
	s5 =	sadd.s32 $0x33600, s0;
	s15 =	smul.u32 $0xC800, s2  }
0xa: {  	s8 =	sor.u32 s2, s8;
	s9 =	ssub.s32 $0x2, s2;
	s2 =	smul.u32 $0x1900, s2  }
0xb: {  	_ =	strace $0x8000004A;
	s10 =	smul.u32 $0x1900, s8;
	s23 =	sshrl.u32 s9, $0x1  }
0xc: {  	s8 =	smul.u32 $0xC800, s8;
	s14 =	sadd.s32 s6, s3;
	s7 =	sadd.s32 s6, s7  }
0xd: {  	s13 =	ssub.s32 s9, s23;
	s6 =	sor.u32 $0x1C02, s24;
	s26 =	sadd.s32 s15, s25  }
0xe: {  	s2 =	sadd.s32 s2, s16;
	s15 =	simm.s32 $0x80;
	s23 =	simm.s32 $0x1  }
0xf: {  	s24 =	simm.s32 $0x480;
	s25 =	simm.s32 $0x500;
	s7 =	sshrl.u32 s7, $0x3  }
0x10: {  	s8 =	sshrl.u32 s8, $0x3;
	s28 =	sor.u32 $0x200, s26;
	s26 =	simm.s32 $0x580  }
0x11: {  	s0 =	sadd.s32 s7, s0;
	s7 =	sadd.s32 s12, s10;
	s8 =	sadd.s32 s11, s8  }
0x12: {  	s10 =	smax.u32 s13, $0x1;
	s11 =	sadd.s32 s2, s11;
	s13 =	sshrl.u32 s14, $0x3  }
0x13: {  	s14 =	simm.s32 $0x2;
	s9 =	sadd.s32 $0x35000, s0;
	s0 =	sshrl.u32 s28, $0x3  }
0x14: {  	s8 =	sadd.s32 $0x18C0, s8;
	s12 =	sadd.s32 s0, s12;
	s0 =	simm.s32 $0x0  }
.LBB2_1:
0x15: {  	[spmem:s13], [sflag:s6] =	dma.local [hbm:s5], $0x1900  }
0x16: {  	_ =	swait.ge [sflag:s14], $0x1900  }
0x17: {  	[sflag:s14] =	ssyncset.done $0x0  }
0x18: {  	[sflag:s14] =	ssyncadd.s32 $0xFFFFE700  }
0x19: {  	[bflag:$0x0] =	sbarrier.arrive $0xFFFF  }
0x1a: {  	[tilespmem:s4], [sflag:$0x2] =	stream.linear.gather [hbm4b:s7+s4], $0x200, $0x38;
	[tilespmem:$0xEE00] =	vst v63  }
0x1b: {  	_ =	swait.ge [sflag:s14], $0x200  }
0x1c: {  	[sflag:s14] =	ssyncset.done $0x0  }
0x1d: {  	s2 =	simm.s32 $0x600;
	[sflag:s14] =	ssyncadd.s32 $0xFFFFFE00  }
0x1e: {  	[tilespmem:s2], [sflag:$0x1] =	stream.indirect.gather [hbm4b:s1+s15], $0x8, s4, s15, $0xb8;
	[tilespmem:$0xEE00] =	vst v63  }
0x1f: {  	s21 =	simm.s32 $0xA00  }
0x20: {  	[tilespmem:s21], [sflag:$0x1] =	stream.indirect.gather [hbm4b:s1+s15], $0x8, s15, s15, $0xb8;
	[tilespmem:$0xEE00] =	vst v63  }
0x21: {  	s28 =	simm.s32 $0x100;
	s16 =	simm.s32 $0xE00  }
0x22: {  	[tilespmem:s16], [sflag:$0x1] =	stream.indirect.gather [hbm4b:s1+s15], $0x8, s28, s15, $0xb8;
	[tilespmem:$0xEE00] =	vst v63  }
0x23: {  	s17 =	simm.s32 $0x1200;
	s18 =	sand.u32 $0x1, s23;
	s16 =	simm.s32 $0x180  }
0x24: {  	[tilespmem:s17], [sflag:$0x1] =	stream.indirect.gather [hbm4b:s1+s15], $0x8, s16, s15, $0xb8;
	[tilespmem:$0xEE00] =	vst v63  }
0x25: {  	s19 =	sshll.u32 s18, $0x9  }
0x26: {  	[tilespmem:s19], [sflag:$0x2] =	stream.linear.gather [hbm4b:s12+s4], $0x200, $0x38;
	[tilespmem:$0xEE00] =	vst v63  }
0x27: {  	_ =	swait.ge [sflag:s14], $0x200  }
0x28: {  	s2 =	sshll.u32 s18, $0xC;
	[sflag:s14] =	ssyncset.done $0x0  }
0x29: {  	s17 =	sor.u32 $0x600, s2;
	[sflag:s14] =	ssyncadd.s32 $0xFFFFFE00  }
0x2a: {  	[tilespmem:s17], [sflag:$0x1] =	stream.indirect.gather [hbm4b:s1+s15], $0x8, s19, s15, $0xb8;
	[tilespmem:$0xEE00] =	vst v63  }
0x2b: {  	s18 =	sor.u32 $0x80, s19;
	s20 =	sor.u32 $0xA00, s2  }
0x2c: {  	[tilespmem:s20], [sflag:$0x1] =	stream.indirect.gather [hbm4b:s1+s15], $0x8, s18, s15, $0xb8;
	[tilespmem:$0xEE00] =	vst v63  }
0x2d: {  	s21 =	sor.u32 $0xE00, s2;
	s28 =	sor.u32 $0x100, s19  }
0x2e: {  	[tilespmem:s21], [sflag:$0x1] =	stream.indirect.gather [hbm4b:s1+s15], $0x8, s28, s15, $0xb8;
	[tilespmem:$0xEE00] =	vst v63  }
0x2f: {  	s16 =	sor.u32 $0x180, s19;
	s18 =	sadd.s32 $0x1200, s2  }
0x30: {  	[tilespmem:s18], [sflag:$0x1] =	stream.indirect.gather [hbm4b:s1+s15], $0x8, s16, s15, $0xb8;
	[tilespmem:$0xEE00] =	vst v63  }
0x31: {  	_ = 	snop  }
0x32: {  	[tilespmem:s22], [sflag:$0x2] =	stream.linear.gather [hbm4b:s11+s4], $0x200, $0x38;
	[tilespmem:$0xEE00] =	vst v63  }
0x33: {  	_ =	swait.ge [sflag:s14], $0x200  }
0x34: {  	[sflag:s14] =	ssyncset.done $0x0  }
0x35: {  	[sflag:s14] =	ssyncadd.s32 $0xFFFFFE00  }
0x36: {  	_ =	swait.ge [sflag:s23], $0x1000  }
0x37: {  	[sflag:s23] =	ssyncset.done $0x0  }
0x38: {  	s19 =	sxor.u32 $0x1600, s2;
	[sflag:s23] =	ssyncadd.s32 $0xFFFFF000  }
0x39: {  	[spmem:s3] =	stream.indirect.scatter.add.f32 [tilespmem:s19], [sflag:$0x2], $0x8, s22, s15, $0xb8;
	[tilespmem:$0xEE00] =	vst v63  }
0x3a: {  	_ =	swait.ge [sflag:s14], $0x400  }
0x3b: {  	[sflag:s14] =	ssyncset.done $0x0  }
0x3c: {  	s20 =	sxor.u32 $0x1A00, s2;
	[sflag:s14] =	ssyncadd.s32 $0xFFFFFC00  }
0x3d: {  	[spmem:s3] =	stream.indirect.scatter.add.f32 [tilespmem:s20], [sflag:$0x2], $0x8, s24, s15, $0xb8;
	[tilespmem:$0xEE00] =	vst v63  }
0x3e: {  	_ =	swait.ge [sflag:s14], $0x400  }
0x3f: {  	[sflag:s14] =	ssyncset.done $0x0  }
0x40: {  	s21 =	sxor.u32 $0x1E00, s2;
	[sflag:s14] =	ssyncadd.s32 $0xFFFFFC00  }
0x41: {  	[spmem:s3] =	stream.indirect.scatter.add.f32 [tilespmem:s21], [sflag:$0x2], $0x8, s25, s15, $0xb8;
	[tilespmem:$0xEE00] =	vst v63  }
0x42: {  	_ =	swait.ge [sflag:s14], $0x400  }
0x43: {  	[sflag:s14] =	ssyncset.done $0x0  }
0x44: {  	s17 =	simm.s32 $0x3;
	s2 =	ssub.s32 $0x2200, s2;
	[sflag:s14] =	ssyncadd.s32 $0xFFFFFC00  }
0x45: {  	[spmem:s3] =	stream.indirect.scatter.add.f32 [tilespmem:s2], [sflag:$0x2], $0x8, s26, s15, $0xb8;
	[tilespmem:$0xEE00] =	vst v63  }
0x46: {  	s28 =	simm.s32 $0x2;
	s16 =	sadd.s32 $0x40, s12;
	_ =	swait.ge [sflag:s14], $0x400  }
0x47: {  	s19 =	sand.u32 $0x1, s28;
	s2 =	sadd.s32 $0x40, s11;
	[sflag:s14] =	ssyncset.done $0x0  }
.LBB2_2:
0x48: {  	s21 =	sshll.u32 s19, $0x9  }
0x49: {  	[sflag:s14] =	ssyncadd.s32 $0xFFFFFC00;
	s18 =	smov.u32 s17;
	s20 =	sadd.s32 $0x1, s17  }
0x4a: {  	[tilespmem:s21], [sflag:$0x2] =	stream.linear.gather [hbm4b:s16+s4], $0x200, $0x38;
	[tilespmem:$0xEE00] =	vst v63  }
0x4b: {  	p0 =	sne.s32 s17, $0x63;
	_ =	swait.ge [sflag:s14], $0x200  }
0x4c: {  	s19 =	sshll.u32 s19, $0xC;
	[sflag:s14] =	ssyncset.done $0x0  }
0x4d: {  	s17 =	sor.u32 $0x600, s19;
	[sflag:s14] =	ssyncadd.s32 $0xFFFFFE00  }
0x4e: {  	[tilespmem:s17], [sflag:$0x1] =	stream.indirect.gather [hbm4b:s1+s15], $0x8, s21, s15, $0xb8;
	[tilespmem:$0xEE00] =	vst v63  }
0x4f: {  	s28 =	sor.u32 $0x80, s21;
	s17 =	sor.u32 $0xA00, s19  }
0x50: {  	[tilespmem:s17], [sflag:$0x1] =	stream.indirect.gather [hbm4b:s1+s15], $0x8, s28, s15, $0xb8;
	[tilespmem:$0xEE00] =	vst v63  }
0x51: {  	s17 =	sor.u32 $0xE00, s19;
	s28 =	sor.u32 $0x100, s21  }
0x52: {  	[tilespmem:s17], [sflag:$0x1] =	stream.indirect.gather [hbm4b:s1+s15], $0x8, s28, s15, $0xb8;
	[tilespmem:$0xEE00] =	vst v63  }
0x53: {  	s21 =	sor.u32 $0x180, s21;
	s17 =	sadd.s32 $0x1200, s19  }
0x54: {  	[tilespmem:s17], [sflag:$0x1] =	stream.indirect.gather [hbm4b:s1+s15], $0x8, s21, s15, $0xb8;
	[tilespmem:$0xEE00] =	vst v63  }
0x55: {  	_ = 	snop  }
0x56: {  	[tilespmem:s22], [sflag:$0x2] =	stream.linear.gather [hbm4b:s2+s4], $0x200, $0x38;
	[tilespmem:$0xEE00] =	vst v63  }
0x57: {  	_ =	swait.ge [sflag:s14], $0x200  }
0x58: {  	[sflag:s14] =	ssyncset.done $0x0  }
0x59: {  	[sflag:s14] =	ssyncadd.s32 $0xFFFFFE00  }
0x5a: {  	_ =	swait.ge [sflag:s23], $0x1000  }
0x5b: {  	[sflag:s23] =	ssyncset.done $0x0  }
0x5c: {  	s17 =	sxor.u32 $0x1600, s19;
	[sflag:s23] =	ssyncadd.s32 $0xFFFFF000  }
0x5d: {  	[spmem:s3] =	stream.indirect.scatter.add.f32 [tilespmem:s17], [sflag:$0x2], $0x8, s22, s15, $0xb8;
	[tilespmem:$0xEE00] =	vst v63  }
0x5e: {  	_ =	swait.ge [sflag:s14], $0x400  }
0x5f: {  	[sflag:s14] =	ssyncset.done $0x0  }
0x60: {  	s17 =	sxor.u32 $0x1A00, s19;
	[sflag:s14] =	ssyncadd.s32 $0xFFFFFC00  }
0x61: {  	[spmem:s3] =	stream.indirect.scatter.add.f32 [tilespmem:s17], [sflag:$0x2], $0x8, s24, s15, $0xb8;
	[tilespmem:$0xEE00] =	vst v63  }
0x62: {  	_ =	swait.ge [sflag:s14], $0x400  }
0x63: {  	[sflag:s14] =	ssyncset.done $0x0  }
0x64: {  	s17 =	sxor.u32 $0x1E00, s19;
	[sflag:s14] =	ssyncadd.s32 $0xFFFFFC00  }
0x65: {  	[spmem:s3] =	stream.indirect.scatter.add.f32 [tilespmem:s17], [sflag:$0x2], $0x8, s25, s15, $0xb8;
	[tilespmem:$0xEE00] =	vst v63  }
0x66: {  	_ =	swait.ge [sflag:s14], $0x400  }
.Ltmp0:
0x67: {  	[sflag:s14] =	ssyncset.done $0x0;
	(pc) =	sbr.rel @p0 .LBB2_2-.Ltmp0, $4  }
0x68: {  	s17 =	ssub.s32 $0x2200, s19;
	[sflag:s14] =	ssyncadd.s32 $0xFFFFFC00  }
0x69: {  	[spmem:s3] =	stream.indirect.scatter.add.f32 [tilespmem:s17], [sflag:$0x2], $0x8, s26, s15, $0xb8;
	[tilespmem:$0xEE00] =	vst v63  }
0x6a: {  	s16 =	sadd.s32 $0x40, s16;
	s2 =	sadd.s32 $0x40, s2;
	_ =	swait.ge [sflag:s14], $0x400  }
0x6b: {  	s19 =	sand.u32 $0x1, s18;
	s17 =	smov.u32 s20;
	[sflag:s14] =	ssyncset.done $0x0  }
0x6c: {  	s17 =	sshll.u32 s19, $0x9;
	[sflag:s14] =	ssyncadd.s32 $0xFFFFFC00  }
0x6d: {  	[tilespmem:s17], [sflag:$0x2] =	stream.linear.gather [hbm4b:s16+s4], $0x200, $0x38;
	[tilespmem:$0xEE00] =	vst v63  }
0x6e: {  	_ =	swait.ge [sflag:s14], $0x200  }
0x6f: {  	s16 =	sshll.u32 s19, $0xC;
	[sflag:s14] =	ssyncset.done $0x0  }
0x70: {  	s18 =	sor.u32 $0x600, s16;
	[sflag:s14] =	ssyncadd.s32 $0xFFFFFE00  }
0x71: {  	[tilespmem:s18], [sflag:$0x1] =	stream.indirect.gather [hbm4b:s1+s15], $0x8, s17, s15, $0xb8;
	[tilespmem:$0xEE00] =	vst v63  }
0x72: {  	s28 =	sor.u32 $0x80, s17;
	s21 =	sor.u32 $0xA00, s16  }
0x73: {  	[tilespmem:s21], [sflag:$0x1] =	stream.indirect.gather [hbm4b:s1+s15], $0x8, s28, s15, $0xb8;
	[tilespmem:$0xEE00] =	vst v63  }
0x74: {  	s20 =	sor.u32 $0xE00, s16;
	s21 =	sor.u32 $0x100, s17  }
0x75: {  	[tilespmem:s20], [sflag:$0x1] =	stream.indirect.gather [hbm4b:s1+s15], $0x8, s21, s15, $0xb8;
	[tilespmem:$0xEE00] =	vst v63  }
0x76: {  	s28 =	sadd.s32 $0x1200, s16;
	s17 =	sor.u32 $0x180, s17  }
0x77: {  	[tilespmem:s28], [sflag:$0x1] =	stream.indirect.gather [hbm4b:s1+s15], $0x8, s17, s15, $0xb8;
	[tilespmem:$0xEE00] =	vst v63  }
0x78: {  	_ = 	snop  }
0x79: {  	[tilespmem:s22], [sflag:$0x2] =	stream.linear.gather [hbm4b:s2+s4], $0x200, $0x38;
	[tilespmem:$0xEE00] =	vst v63  }
0x7a: {  	_ =	swait.ge [sflag:s14], $0x200  }
0x7b: {  	[sflag:s14] =	ssyncset.done $0x0  }
0x7c: {  	[sflag:s14] =	ssyncadd.s32 $0xFFFFFE00  }
0x7d: {  	_ =	swait.ge [sflag:s23], $0x1000  }
0x7e: {  	[sflag:s23] =	ssyncset.done $0x0  }
0x7f: {  	s18 =	sxor.u32 $0x1600, s16;
	[sflag:s23] =	ssyncadd.s32 $0xFFFFF000  }
0x80: {  	[spmem:s3] =	stream.indirect.scatter.add.f32 [tilespmem:s18], [sflag:$0x2], $0x8, s22, s15, $0xb8;
	[tilespmem:$0xEE00] =	vst v63  }
0x81: {  	_ =	swait.ge [sflag:s14], $0x400  }
0x82: {  	[sflag:s14] =	ssyncset.done $0x0  }
0x83: {  	s19 =	sxor.u32 $0x1A00, s16;
	[sflag:s14] =	ssyncadd.s32 $0xFFFFFC00  }
0x84: {  	[spmem:s3] =	stream.indirect.scatter.add.f32 [tilespmem:s19], [sflag:$0x2], $0x8, s24, s15, $0xb8;
	[tilespmem:$0xEE00] =	vst v63  }
0x85: {  	_ =	swait.ge [sflag:s14], $0x400  }
0x86: {  	[sflag:s14] =	ssyncset.done $0x0  }
0x87: {  	s20 =	sxor.u32 $0x1E00, s16;
	[sflag:s14] =	ssyncadd.s32 $0xFFFFFC00  }
0x88: {  	[spmem:s3] =	stream.indirect.scatter.add.f32 [tilespmem:s20], [sflag:$0x2], $0x8, s25, s15, $0xb8;
	[tilespmem:$0xEE00] =	vst v63  }
0x89: {  	_ =	swait.ge [sflag:s14], $0x400  }
0x8a: {  	[sflag:s14] =	ssyncset.done $0x0  }
0x8b: {  	s21 =	ssub.s32 $0x2200, s16;
	[sflag:s14] =	ssyncadd.s32 $0xFFFFFC00  }
0x8c: {  	[spmem:s3] =	stream.indirect.scatter.add.f32 [tilespmem:s21], [sflag:$0x2], $0x8, s26, s15, $0xb8;
	[tilespmem:$0xEE00] =	vst v63  }
0x8d: {  	_ =	swait.ge [sflag:s14], $0x400  }
0x8e: {  	[sflag:s14] =	ssyncset.done $0x0  }
0x8f: {  	[sflag:s14] =	ssyncadd.s32 $0xFFFFFC00  }
0x90: {  	[tilespmem:s22], [sflag:$0x2] =	stream.linear.gather [hbm4b:s8+s4], $0x200, $0x38;
	[tilespmem:$0xEE00] =	vst v63  }
0x91: {  	_ =	swait.ge [sflag:s14], $0x200  }
0x92: {  	[sflag:s14] =	ssyncset.done $0x0  }
0x93: {  	[sflag:s14] =	ssyncadd.s32 $0xFFFFFE00  }
0x94: {  	_ =	swait.ge [sflag:s23], $0x1000  }
0x95: {  	[sflag:s23] =	ssyncset.done $0x0  }
0x96: {  	s28 =	simm.s32 $0x1600;
	[sflag:s23] =	ssyncadd.s32 $0xFFFFF000  }
0x97: {  	[spmem:s3] =	stream.indirect.scatter.add.f32 [tilespmem:s28], [sflag:$0x2], $0x8, s22, s15, $0xb8;
	[tilespmem:$0xEE00] =	vst v63  }
0x98: {  	_ =	swait.ge [sflag:s14], $0x400  }
0x99: {  	[sflag:s14] =	ssyncset.done $0x0  }
0x9a: {  	[sflag:s14] =	ssyncadd.s32 $0xFFFFFC00  }
0x9b: {  	[spmem:s3] =	stream.indirect.scatter.add.f32 [tilespmem:s29], [sflag:$0x2], $0x8, s24, s15, $0xb8;
	[tilespmem:$0xEE00] =	vst v63  }
0x9c: {  	_ =	swait.ge [sflag:s14], $0x400  }
0x9d: {  	[sflag:s14] =	ssyncset.done $0x0  }
0x9e: {  	[sflag:s14] =	ssyncadd.s32 $0xFFFFFC00  }
0x9f: {  	[spmem:s3] =	stream.indirect.scatter.add.f32 [tilespmem:s30], [sflag:$0x2], $0x8, s25, s15, $0xb8;
	[tilespmem:$0xEE00] =	vst v63  }
0xa0: {  	_ =	swait.ge [sflag:s14], $0x400  }
0xa1: {  	[sflag:s14] =	ssyncset.done $0x0  }
0xa2: {  	[sflag:s14] =	ssyncadd.s32 $0xFFFFFC00  }
0xa3: {  	[spmem:s3] =	stream.indirect.scatter.add.f32 [tilespmem:s31], [sflag:$0x2], $0x8, s26, s15, $0xb8;
	[tilespmem:$0xEE00] =	vst v63  }
0xa4: {  	_ =	swait.ge [sflag:s14], $0x400  }
0xa5: {  	s0 =	sadd.s32 $0x1, s0;
	[sflag:s14] =	ssyncset.done $0x0  }
0xa6: {  	p0 =	sne.s32 s0, s10;
	[sflag:s14] =	ssyncadd.s32 $0xFFFFFC00  }
.Ltmp1:
0xa7: {  	[bflag:$0x0] =	sbarrier.arrive $0xFFFF;
	(pc) =	sbr.rel @p0 .LBB2_1-.Ltmp1, $4  }
0xa8: {  	[hbm:s9], [sflag:s6] =	dma.local [spmem:s13], $0x1900  }
0xa9: {  	_ =	swait.ge [sflag:s14], $0x1900  }
0xaa: {  	[sflag:s14] =	ssyncset.done $0x0  }
0xab: {  	[sflag:s14] =	ssyncadd.s32 $0xFFFFE700  }
0xac: {  	_ =	sfence.sel $0x180000  }
0xad: {  	[bflag:$0x0] =	sbarrier.arrive $0xFFFF  }
0xae: {  	_ =	strace $0x9000004A  }
0xaf: {  	s0 =	stileid.u32;
	[bflag:$0x2] =	sbarrier.arrive $0xFFFF  }
0xb0: {  	p0 =	sne.s32 s0, $0x0;
	s0 =	rddreg [dreg:$0x3]  }
0xb1: {  	s0 =	sadd.s32 @!p0 $0x100000, s0  }
0xb2: {  	[sflag:s0] =	ssyncadd.tile.s32 @!p0 $0x1;
	_ =	shalt  }
.Lfunc_end2:
_tile_overlayer_lowered:
.L_overlay_start_2:
0xb3: {  	(tag) =	ssettag $0x2  }
0xb4: {  	s0 =	rddreg [dreg:$0x0];
	s2 =	stileid.u32  }
0xb5: {  	s1 =	rddreg [dreg:$0x1];
	p0 =	sne.s32 s2, $0x0  }
0xb6: {  	s3 =	rddreg [dreg:$0x2];
	[bflag:$0x3] =	sbarrier.arrive $0xFFFF;
	s2 =	simm.s32 @!p0 $0x1C02  }
0xb7: {  	[timem:s3], [sflag:s2] =	dma.local @!p0 [hbm:s0], s1  }
0xb8: {  	s0 =	simm.s32 @!p0 $0x2  }
0xb9: {  	_ =	swait.ge @!p0 [sflag:s0], s1  }
0xba: {  	s1 =	ssub.s32 @!p0 $0x0, s1;
	[sflag:s0] =	ssyncset.done @!p0 $0x0  }
0xbb: {  	[sflag:s0] =	ssyncadd.s32 @!p0 s1  }
0xbc: {  	[bflag:$0x3] =	sbarrier.arrive $0xFFFF  }
0xbd: {  	_ =	shalt  }

// kernel: kernel.14.cloned.1.call-start
scs
__scs_entry_jumppad:
0x0: {  	(pc) =	sbr.rel $0x88, $3  }
0x1: {  	(tag) =	ssettag $0x0;
	lr =	simm.s32 $0x1  }
0x2: {  	[smem:$0x3F9B] =	sst lr;
	_ =	strace $0xD0000000  }
0x3: {  	_ = 	snop  }
0x4: {  	_ = 	snop  }
0x5: {  	_ = 	snop  }
0x6: {  	_ = 	snop  }
0x7: {  	_ = 	snop  }
__scs_overlays_trampoline_lowered:
0x8: {  	[smem:$0x3FAA] =	sst s0  }
0x9: {  	[smem:$0x3FAB] =	sst s1  }
0xa: {  	[smem:$0x3FAC] =	sst s2  }
0xb: {  	[smem:$0x3FAD] =	sst s3  }
0xc: {  	[smem:$0x3FAE] =	sst s4  }
0xd: {  	[smem:$0x3FAF] =	sst s5  }
0xe: {  	[smem:$0x3FB0] =	sst s6  }
0xf: {  	[smem:$0x3FB1] =	sst s7  }
0x10: {  	[smem:$0x3FB2] =	sst s8  }
0x11: {  	[smem:$0x3FB3] =	sst s9;
	s0 =	simm.s32 @!p0 $0x0  }
0x12: {  	s1 =	sld [smem:$0x3F99];
	s0 =	simm.s32 @p0 $0x1  }
0x13: {  	[smem:$0x3FB4] =	sst s0;
	s0 =	simm.s32 @!p1 $0x0  }
0x14: {  	s2 =	sld [smem:$0x3F98];
	s0 =	simm.s32 @p1 $0x1  }
0x15: {  	[smem:$0x3FB5] =	sst s0;
	s0 =	simm.s32 @!p2 $0x0  }
0x16: {  	s3 =	sld [smem:$0x3FDB];
	s0 =	simm.s32 @p2 $0x1  }
0x17: {  	s4 =	simm.s32 $0x1BF5;
	[smem:$0x3FB7] =	sst s0  }
0x18: {  	s0 =	sld [smem:$0x3F9A];
	_ =	swait.ge [sflag:s4], $0x0  }
0x19: {  	s7 =	sld [smem:$0x3F9B]  }
0x1a: {  	s8 =	sadd.s32 $0xFFFFE003, lr  }
0x1b: {  	s9 =	sadd.s32 $0xFFFFFEF7, lr;
	s5 =	simm.s32 $0xFFFFFFFF;
	p2 =	slt.u32 s8, $0xFFFFF086  }
0x1c: {  	p1 =	slt.u32 s9, $0xF7A;
	s5 =	simm.s32 @!p2 $0x0  }
0x1d: {  	s5 =	simm.s32 @p1 $0x1;
	p0 =	seq.s32 s7, s2  }
0x1e: {  	s7 =	smul.u32 @!p0 $0xF7A, s2;
	p2 =	seq.s32 @!p0 s5, $0x0  }
0x1f: {  	s9 =	smul.u32 $0xF7A, s1;
	s8 =	simm.s32 @!p0 $0x1BF5;
	p2 =	por !p2, p0  }
0x20: {  	[sflag:s8] =	ssyncset.s32 @!p0 $0xFFFFF086;
	s6 =	sadd.s32 @!p0 s3, s7;
	s7 =	simm.s32 @!p0 $0x108  }
0x21: {  	s3 =	sadd.s32 s3, s9;
	s6 =	sadd.s32 @!p0 $0x88, s6;
	s7 =	simm.s32 @p2 $0x1082  }
0x22: {  	[simem:s7], [sflag:s8] =	dma.local @!p0 [hbm:s6], $0xF7A  }
0x23: {  	s9 =	sor.u32 $0xD0000000, s2;
	s6 =	simm.s32 $0x108;
	_ =	swait.ge @!p0 [sflag:s8], $0x0  }
0x24: {  	s3 =	sadd.s32 $0x88, s3;
	s6 =	simm.s32 @!p1 $0x1082;
	[sflag:s4] =	ssyncset.s32 $0xFFFFF086  }
0x25: {  	[simem:s6], [sflag:s4] =	dma.local [hbm:s3], $0xF7A  }
0x26: {  	[smem:$0x3F9B] =	sst s1;
	(tag) =	ssettag s2;
	_ =	strace s9  }
0x27: {  	s1 =	sld [smem:$0x3FAB]  }
0x28: {  	s2 =	sld [smem:$0x3FAC]  }
0x29: {  	s4 =	sld [smem:$0x3FAE]  }
0x2a: {  	p0 =	seq.s32 s5, $0x0;
	s5 =	sld [smem:$0x3FAF]  }
0x2b: {  	s6 =	sld [smem:$0x3FB0]  }
0x2c: {  	s7 =	sld [smem:$0x3FB1]  }
0x2d: {  	s3 =	simm.s32 $0x108;
	s8 =	sld [smem:$0x3FB2]  }
0x2e: {  	s3 =	simm.s32 @!p0 $0x1082;
	s9 =	sld [smem:$0x3FB3]  }
0x2f: {  	lr =	sadd.s32 s0, s3;
	s0 =	sld [smem:$0x3FAA]  }
0x30: {  	s3 =	sld [smem:$0x3FAD]  }
0x31: {  	[smem:$0x3FB6] =	sst s10  }
0x32: {  	s10 =	sld [smem:$0x3FB4];
	_ =	sdelay $0x3  }
0x33: {  	p0 =	seq.s32 s10, $0x1;
	s10 =	sld [smem:$0x3FB6];
	_ =	sdelay $0x3  }
0x34: {  	[smem:$0x3FB6] =	sst s10  }
0x35: {  	s10 =	sld [smem:$0x3FB5];
	_ =	sdelay $0x3  }
0x36: {  	p1 =	seq.s32 s10, $0x1;
	s10 =	sld [smem:$0x3FB6];
	_ =	sdelay $0x3  }
0x37: {  	[smem:$0x3FB6] =	sst s10  }
0x38: {  	s10 =	sld [smem:$0x3FB7]  }
0x39: {  	_ = 	snop;
	(pc) =	sbr.ind lr, $3  }
0x3a: {  	_ = 	snop  }
0x3b: {  	_ = 	snop  }
0x3c: {  	p2 =	seq.s32 s10, $0x1;
	s10 =	sld [smem:$0x3FB6]  }
0x3d: {  	_ =	shalt  }
0x3e: {  	_ =	shalt  }
0x3f: {  	_ =	shalt  }
0x40: {  	_ =	shalt  }
0x41: {  	_ =	shalt  }
0x42: {  	_ =	shalt  }
0x43: {  	_ =	shalt  }
0x44: {  	_ =	shalt  }
0x45: {  	_ =	shalt  }
0x46: {  	_ =	shalt  }
0x47: {  	_ =	shalt  }
0x48: {  	_ =	shalt  }
0x49: {  	_ =	shalt  }
0x4a: {  	_ =	shalt  }
0x4b: {  	_ =	shalt  }
0x4c: {  	_ =	shalt  }
0x4d: {  	_ =	shalt  }
0x4e: {  	_ =	shalt  }
0x4f: {  	_ =	shalt  }
0x50: {  	_ =	shalt  }
0x51: {  	_ =	shalt  }
0x52: {  	_ =	shalt  }
0x53: {  	_ =	shalt  }
0x54: {  	_ =	shalt  }
0x55: {  	_ =	shalt  }
0x56: {  	_ =	shalt  }
0x57: {  	_ =	shalt  }
0x58: {  	_ =	shalt  }
0x59: {  	_ =	shalt  }
0x5a: {  	_ =	shalt  }
0x5b: {  	_ =	shalt  }
0x5c: {  	_ =	shalt  }
0x5d: {  	_ =	shalt  }
0x5e: {  	_ =	shalt  }
0x5f: {  	_ =	shalt  }
0x60: {  	_ =	shalt  }
0x61: {  	_ =	shalt  }
0x62: {  	_ =	shalt  }
0x63: {  	_ =	shalt  }
0x64: {  	_ =	shalt  }
0x65: {  	_ =	shalt  }
0x66: {  	_ =	shalt  }
0x67: {  	_ =	shalt  }
0x68: {  	_ =	shalt  }
0x69: {  	_ =	shalt  }
0x6a: {  	_ =	shalt  }
0x6b: {  	_ =	shalt  }
0x6c: {  	_ =	shalt  }
0x6d: {  	_ =	shalt  }
0x6e: {  	_ =	shalt  }
0x6f: {  	_ =	shalt  }
0x70: {  	_ =	shalt  }
0x71: {  	_ =	shalt  }
0x72: {  	_ =	shalt  }
0x73: {  	_ =	shalt  }
0x74: {  	_ =	shalt  }
0x75: {  	_ =	shalt  }
0x76: {  	_ =	shalt  }
0x77: {  	_ =	shalt  }
0x78: {  	_ =	shalt  }
0x79: {  	_ =	shalt  }
0x7a: {  	_ =	shalt  }
0x7b: {  	_ =	shalt  }
0x7c: {  	_ =	shalt  }
0x7d: {  	_ =	shalt  }
0x7e: {  	_ =	shalt  }
0x7f: {  	_ =	shalt  }
0x80: {  	_ =	shalt  }
0x81: {  	_ =	shalt  }
0x82: {  	_ =	shalt  }
0x83: {  	_ =	shalt  }
0x84: {  	_ =	shalt  }
0x85: {  	_ =	shalt  }
0x86: {  	_ =	shalt  }
0x87: {  	_ =	shalt  }
.Lfunc_end0:
.L_simem_size_0:
called_computation.2_lowered:
.L_overlay_start_0:
0x88: {  	s2 =	sld [smem:$0x3FD9]  }
0x89: {  	s3 =	sld [smem:$0x3FFE];
	_ =	sdelay $0x1  }
0x8a: {  	s1 =	srdreg.scid  }
0x8b: {  	s0 =	sand.u32 $0x1, s1  }
0x8c: {  	s17 =	sshll.u32 s0, $0xA;
	s2 =	sadd.s32 s3, s2  }
0x8d: {  	s2 =	sadd.s32 s2, s17  }
0x8e: {  	[smem:$0x3FC2] =	sst s2  }
0x8f: {  	_ = 	snop  }
0x90: {  	s2 =	sld [smem:$0x3FD0];
	(tm) =	ssettm $0x1  }
0x91: {  	s18 =	sld [smem:$0x3FFB];
	_ =	sdelay $0x3  }
0x92: {  	_ =	strace s18  }
0x93: {  	s3 =	sld [smem:$0x3FFC];
	_ =	sdelay $0x3  }
0x94: {  	_ =	strace s3  }
0x95: {  	s3 =	sld [smem:$0x3FFD];
	_ =	sdelay $0x3  }
0x96: {  	_ =	strace s3  }
0x97: {  	_ =	strace $0x8FFFFFFF  }
0x98: {  	s19 =	sld [smem:$0x3FDB];
	_ =	sdelay $0x1  }
0x99: {  	s4 =	simm.s32 $_scs_section_size  }
0x9a: {  	s5 =	simm.s32 $_size__tile_overlayer_lowered;
	s6 =	simm.s32 $_tile_overlayer_lowered  }
0x9b: {  	s22 =	simm.s32 $0x1BFF;
	s21 =	sshll.u32 s6, $0x1;
	s3 =	sadd.s32 s4, s19  }
0x9c: {  	s7 =	simm.s32 $0x0;
	s20 =	sshll.u32 s5, $0x1;
	s5 =	sadd.s32 s21, s3  }
0x9d: {  	[timem:s7], [sflag:s22] =	dma.local [hbm:s5], s20  }
0x9e: {  	_ =	swait.ge [sflag:s22], s20  }
0x9f: {  	s4 =	ssub.s32 $0x0, s20;
	[sflag:s22] =	ssyncset.done $0x0  }
0xa0: {  	[sflag:s22] =	ssyncadd.s32 s4;
	_ =	sdelay $0x1  }
0xa1: {  	s23 =	simm.s32 $0x1B8B  }
0xa2: {  	_ =	swait.ge [sflag:s23], $0x1  }
0xa3: {  	[sflag:s23] =	ssyncset.done $0x0  }
0xa4: {  	s25 =	simm.s32 $0x1B8E;
	s24 =	sld [smem:$0x3FFE];
	[sflag:s23] =	ssyncadd.s32 $0xFFFFFFFF  }
0xa5: {  	s26 =	simm.s32 $execute0_lowered;
	[smem:$0x3FD2] =	sst s25  }
0xa6: {  	s5 =	sshll.u32 s26, $0x1;
	_ =	strace $0x8000004C;
	[dreg:$0x1] =	wrdreg $0xFFFFFFFF  }
0xa7: {  	s28 =	simm.s32 $_size_execute0_lowered;
	s3 =	sadd.s32 s3, s5;
	[dreg:$0x0] =	wrdreg $0x0  }
0xa8: {  	s5 =	sshll.u32 s28, $0x1;
	[dreg:$0x2] =	wrdreg s3  }
0xa9: {  	[dreg:$0x3] =	wrdreg s5  }
0xaa: {  	[dreg:$0x4] =	wrdreg $0xC0  }
0xab: {  	_ =	task [dreg:s7], $0x5FFFF  }
0xac: {  	[dreg:$0x1] =	wrdreg $0xFFFFFFFF  }
0xad: {  	[dreg:$0x0] =	wrdreg $0x60  }
0xae: {  	[dreg:$0x2] =	wrdreg s2  }
0xaf: {  	[dreg:$0x3] =	wrdreg s24  }
0xb0: {  	[dreg:$0x4] =	wrdreg $0x46000  }
0xb1: {  	[dreg:$0x5] =	wrdreg $0x9  }
0xb2: {  	_ =	task.clear_ibuf [dreg:s7], $0x6FFFF;
	_ =	strace $0x9000004C  }
0xb3: {  	s29 =	simm.s32 $0x9;
	_ =	strace $0x8000004E  }
0xb4: {  	_ =	swait.ge [sflag:s29], $0x1  }
0xb5: {  	[sflag:s29] =	ssyncadd.s32 $0xFFFFFFFF  }
0xb6: {  	_ =	strace $0x9000004E  }
0xb7: {  	_ =	sfence  }
0xb8: {  	s30 =	sld [smem:$0x0];
	_ =	sdelay $0x2  }
0xb9: {  	s31 =	sshll.u32 s1, $0xD;
	s1 =	sshrl.u32 s1, $0x2  }
0xba: {  	s3 =	sand.u32 $0x4000, s31;
	s1 =	sadd.s32 s1, s30  }
0xbb: {  	s0 =	sor.u32 s3, s0;
	s1 =	sshll.u32 s1, $0x11  }
0xbc: {  	s0 =	sor.u32 s1, s0  }
0xbd: {  	s0 =	sadd.s32 $0x8F2B, s0  }
0xbe: {  	[sflag:s0] =	ssyncadd.remote.s32 $0x1  }
0xbf: {  	_ =	sfence.sel $0xFFFF  }
0xc0: {  	[dreg:$0x0] =	wrdreg $0xFFFFFFFF;
	(pc) =	sbr.abs _section_cstart, $3  }
0xc1: {  	[dreg:$0x1] =	wrdreg $0xFFFFFFFF  }
0xc2: {  	_ =	task.clear_ibuf [dreg:s7], $0x2FFFF;
	_ =	strace $0x9FFFFFFF  }
0xc3: {  	(tm) =	ssettm $0x7FFFFFFF  }
tec
execute0_lowered:
.L_overlay_start_1:
0x0: {  	(tag) =	ssettag $0x1  }
0x1: {  	s1 =	rddreg [dreg:$0x0]  }
0x2: {  	s0 =	rddreg [dreg:$0x1]  }
0x3: {  	s3 =	rddreg [dreg:$0x2]  }
0x4: {  	s4 =	simm.s32 $0x0;
	s2 =	srdreg.scid;
	s16 =	stileid.u32  }
0x5: {  	s22 =	simm.s32 $0x400;
	s29 =	simm.s32 $0x2E00;
	s30 =	simm.s32 $0x3600  }
0x6: {  	s31 =	simm.s32 $0x3E00;
	s2 =	sand.u32 $0x1, s2;
	s8 =	smul.u32 $0x19000, s16  }
0x7: {  	s7 =	sshll.u32 s16, $0x1;
	s24 =	sshll.u32 s16, $0x6;
	s16 =	smul.u32 $0x3200, s16  }
0x8: {  	[smem:$0x7FF] =	sst s4;
	s12 =	sadd.s32 $0x1EDA00, s0;
	s6 =	smul.u32 $0x190000, s2  }
0x9: {  	s11 =	sadd.s32 $0x1600, s0;
	s5 =	sadd.s32 $0x21FA00, s0;
	s15 =	smul.u32 $0xC800, s2  }
0xa: {  	s9 =	ssub.s32 $0x2, s2;
	s7 =	sor.u32 s2, s7;
	s2 =	smul.u32 $0x1900, s2  }
0xb: {  	_ =	strace $0x8000004D;
	s23 =	sshrl.u32 s9, $0x1;
	s10 =	smul.u32 $0x1900, s7  }
0xc: {  	s25 =	smul.u32 $0xC800, s7;
	s14 =	sadd.s32 s8, s3;
	s6 =	sadd.s32 s8, s6  }
0xd: {  	s13 =	ssub.s32 s9, s23;
	s26 =	sadd.s32 s15, s8;
	s2 =	sadd.s32 s2, s16  }
0xe: {  	s15 =	simm.s32 $0x80;
	s23 =	simm.s32 $0x1;
	s6 =	sshrl.u32 s6, $0x3  }
0xf: {  	s7 =	sadd.s32 s12, s10;
	s9 =	sshrl.u32 s25, $0x3;
	s28 =	sor.u32 $0x200, s26  }
0x10: {  	s10 =	smax.u32 s13, $0x1;
	s13 =	sshrl.u32 s14, $0x3;
	s14 =	simm.s32 $0x2  }
0x11: {  	s25 =	simm.s32 $0x500;
	s26 =	simm.s32 $0x580;
	s0 =	sadd.s32 s6, s0  }
0x12: {  	s6 =	sor.u32 $0x1C02, s24;
	s9 =	sadd.s32 s11, s9;
	s11 =	sadd.s32 s2, s11  }
0x13: {  	s8 =	sadd.s32 $0x18C0, s9;
	s9 =	sadd.s32 $0x222C00, s0;
	s0 =	sshrl.u32 s28, $0x3  }
0x14: {  	s24 =	simm.s32 $0x480;
	s12 =	sadd.s32 s0, s12;
	s0 =	simm.s32 $0x0  }
.LBB2_1:
0x15: {  	[spmem:s13], [sflag:s6] =	dma.local [hbm:s5], $0x3200  }
0x16: {  	_ =	swait.ge [sflag:s14], $0x3200  }
0x17: {  	[sflag:s14] =	ssyncset.done $0x0  }
0x18: {  	[sflag:s14] =	ssyncadd.s32 $0xFFFFCE00  }
0x19: {  	[bflag:$0x0] =	sbarrier.arrive $0xFFFF  }
0x1a: {  	[tilespmem:s4], [sflag:$0x2] =	stream.linear.gather [hbm4b:s7+s4], $0x200, $0x38;
	[tilespmem:$0x1D600] =	vst v63  }
0x1b: {  	_ =	swait.ge [sflag:s14], $0x200  }
0x1c: {  	[sflag:s14] =	ssyncset.done $0x0  }
0x1d: {  	s2 =	simm.s32 $0x600;
	[sflag:s14] =	ssyncadd.s32 $0xFFFFFE00  }
0x1e: {  	[tilespmem:s2], [sflag:$0x1] =	stream.indirect.gather [hbm4b:s1+s15], $0x10, s4, s15, $0xb8;
	[tilespmem:$0x1D600] =	vst v63  }
0x1f: {  	s21 =	simm.s32 $0xE00  }
0x20: {  	[tilespmem:s21], [sflag:$0x1] =	stream.indirect.gather [hbm4b:s1+s15], $0x10, s15, s15, $0xb8;
	[tilespmem:$0x1D600] =	vst v63  }
0x21: {  	s28 =	simm.s32 $0x100;
	s16 =	simm.s32 $0x1600  }
0x22: {  	[tilespmem:s16], [sflag:$0x1] =	stream.indirect.gather [hbm4b:s1+s15], $0x10, s28, s15, $0xb8;
	[tilespmem:$0x1D600] =	vst v63  }
0x23: {  	s17 =	simm.s32 $0x1E00;
	s18 =	sand.u32 $0x1, s23;
	s16 =	simm.s32 $0x180  }
0x24: {  	[tilespmem:s17], [sflag:$0x1] =	stream.indirect.gather [hbm4b:s1+s15], $0x10, s16, s15, $0xb8;
	[tilespmem:$0x1D600] =	vst v63  }
0x25: {  	s19 =	sshll.u32 s18, $0x9  }
0x26: {  	[tilespmem:s19], [sflag:$0x2] =	stream.linear.gather [hbm4b:s12+s4], $0x200, $0x38;
	[tilespmem:$0x1D600] =	vst v63  }
0x27: {  	_ =	swait.ge [sflag:s14], $0x200  }
0x28: {  	s2 =	sshll.u32 s18, $0xD;
	[sflag:s14] =	ssyncset.done $0x0  }
0x29: {  	s17 =	sor.u32 $0x600, s2;
	[sflag:s14] =	ssyncadd.s32 $0xFFFFFE00  }
0x2a: {  	[tilespmem:s17], [sflag:$0x1] =	stream.indirect.gather [hbm4b:s1+s15], $0x10, s19, s15, $0xb8;
	[tilespmem:$0x1D600] =	vst v63  }
0x2b: {  	s18 =	sor.u32 $0x80, s19;
	s20 =	sor.u32 $0xE00, s2  }
0x2c: {  	[tilespmem:s20], [sflag:$0x1] =	stream.indirect.gather [hbm4b:s1+s15], $0x10, s18, s15, $0xb8;
	[tilespmem:$0x1D600] =	vst v63  }
0x2d: {  	s21 =	sor.u32 $0x1600, s2;
	s28 =	sor.u32 $0x100, s19  }
0x2e: {  	[tilespmem:s21], [sflag:$0x1] =	stream.indirect.gather [hbm4b:s1+s15], $0x10, s28, s15, $0xb8;
	[tilespmem:$0x1D600] =	vst v63  }
0x2f: {  	s16 =	sor.u32 $0x180, s19;
	s18 =	sor.u32 $0x1E00, s2  }
0x30: {  	[tilespmem:s18], [sflag:$0x1] =	stream.indirect.gather [hbm4b:s1+s15], $0x10, s16, s15, $0xb8;
	[tilespmem:$0x1D600] =	vst v63  }
0x31: {  	_ = 	snop  }
0x32: {  	[tilespmem:s22], [sflag:$0x2] =	stream.linear.gather [hbm4b:s11+s4], $0x200, $0x38;
	[tilespmem:$0x1D600] =	vst v63  }
0x33: {  	_ =	swait.ge [sflag:s14], $0x200  }
0x34: {  	[sflag:s14] =	ssyncset.done $0x0  }
0x35: {  	[sflag:s14] =	ssyncadd.s32 $0xFFFFFE00  }
0x36: {  	_ =	swait.ge [sflag:s23], $0x2000  }
0x37: {  	[sflag:s23] =	ssyncset.done $0x0  }
0x38: {  	s19 =	sxor.u32 $0x2600, s2;
	[sflag:s23] =	ssyncadd.s32 $0xFFFFE000  }
0x39: {  	[spmem:s3] =	stream.indirect.scatter.add.f32 [tilespmem:s19], [sflag:$0x2], $0x10, s22, s15, $0xb8;
	[tilespmem:$0x1D600] =	vst v63  }
0x3a: {  	_ =	swait.ge [sflag:s14], $0x800  }
0x3b: {  	[sflag:s14] =	ssyncset.done $0x0  }
0x3c: {  	s20 =	sxor.u32 $0x2E00, s2;
	[sflag:s14] =	ssyncadd.s32 $0xFFFFF800  }
0x3d: {  	[spmem:s3] =	stream.indirect.scatter.add.f32 [tilespmem:s20], [sflag:$0x2], $0x10, s24, s15, $0xb8;
	[tilespmem:$0x1D600] =	vst v63  }
0x3e: {  	_ =	swait.ge [sflag:s14], $0x800  }
0x3f: {  	[sflag:s14] =	ssyncset.done $0x0  }
0x40: {  	s21 =	sxor.u32 $0x3600, s2;
	[sflag:s14] =	ssyncadd.s32 $0xFFFFF800  }
0x41: {  	[spmem:s3] =	stream.indirect.scatter.add.f32 [tilespmem:s21], [sflag:$0x2], $0x10, s25, s15, $0xb8;
	[tilespmem:$0x1D600] =	vst v63  }
0x42: {  	_ =	swait.ge [sflag:s14], $0x800  }
0x43: {  	[sflag:s14] =	ssyncset.done $0x0  }
0x44: {  	s17 =	simm.s32 $0x3;
	s2 =	sxor.u32 $0x3E00, s2;
	[sflag:s14] =	ssyncadd.s32 $0xFFFFF800  }
0x45: {  	[spmem:s3] =	stream.indirect.scatter.add.f32 [tilespmem:s2], [sflag:$0x2], $0x10, s26, s15, $0xb8;
	[tilespmem:$0x1D600] =	vst v63  }
0x46: {  	s28 =	simm.s32 $0x2;
	s16 =	sadd.s32 $0x40, s12;
	_ =	swait.ge [sflag:s14], $0x800  }
0x47: {  	s19 =	sand.u32 $0x1, s28;
	s2 =	sadd.s32 $0x40, s11;
	[sflag:s14] =	ssyncset.done $0x0  }
.LBB2_2:
0x48: {  	s21 =	sshll.u32 s19, $0x9  }
0x49: {  	[sflag:s14] =	ssyncadd.s32 $0xFFFFF800;
	s18 =	smov.u32 s17;
	s20 =	sadd.s32 $0x1, s17  }
0x4a: {  	[tilespmem:s21], [sflag:$0x2] =	stream.linear.gather [hbm4b:s16+s4], $0x200, $0x38;
	[tilespmem:$0x1D600] =	vst v63  }
0x4b: {  	p0 =	sne.s32 s17, $0x63;
	_ =	swait.ge [sflag:s14], $0x200  }
0x4c: {  	s19 =	sshll.u32 s19, $0xD;
	[sflag:s14] =	ssyncset.done $0x0  }
0x4d: {  	s17 =	sor.u32 $0x600, s19;
	[sflag:s14] =	ssyncadd.s32 $0xFFFFFE00  }
0x4e: {  	[tilespmem:s17], [sflag:$0x1] =	stream.indirect.gather [hbm4b:s1+s15], $0x10, s21, s15, $0xb8;
	[tilespmem:$0x1D600] =	vst v63  }
0x4f: {  	s28 =	sor.u32 $0x80, s21;
	s17 =	sor.u32 $0xE00, s19  }
0x50: {  	[tilespmem:s17], [sflag:$0x1] =	stream.indirect.gather [hbm4b:s1+s15], $0x10, s28, s15, $0xb8;
	[tilespmem:$0x1D600] =	vst v63  }
0x51: {  	s17 =	sor.u32 $0x1600, s19;
	s28 =	sor.u32 $0x100, s21  }
0x52: {  	[tilespmem:s17], [sflag:$0x1] =	stream.indirect.gather [hbm4b:s1+s15], $0x10, s28, s15, $0xb8;
	[tilespmem:$0x1D600] =	vst v63  }
0x53: {  	s21 =	sor.u32 $0x180, s21;
	s17 =	sor.u32 $0x1E00, s19  }
0x54: {  	[tilespmem:s17], [sflag:$0x1] =	stream.indirect.gather [hbm4b:s1+s15], $0x10, s21, s15, $0xb8;
	[tilespmem:$0x1D600] =	vst v63  }
0x55: {  	_ = 	snop  }
0x56: {  	[tilespmem:s22], [sflag:$0x2] =	stream.linear.gather [hbm4b:s2+s4], $0x200, $0x38;
	[tilespmem:$0x1D600] =	vst v63  }
0x57: {  	_ =	swait.ge [sflag:s14], $0x200  }
0x58: {  	[sflag:s14] =	ssyncset.done $0x0  }
0x59: {  	[sflag:s14] =	ssyncadd.s32 $0xFFFFFE00  }
0x5a: {  	_ =	swait.ge [sflag:s23], $0x2000  }
0x5b: {  	[sflag:s23] =	ssyncset.done $0x0  }
0x5c: {  	s17 =	sxor.u32 $0x2600, s19;
	[sflag:s23] =	ssyncadd.s32 $0xFFFFE000  }
0x5d: {  	[spmem:s3] =	stream.indirect.scatter.add.f32 [tilespmem:s17], [sflag:$0x2], $0x10, s22, s15, $0xb8;
	[tilespmem:$0x1D600] =	vst v63  }
0x5e: {  	_ =	swait.ge [sflag:s14], $0x800  }
0x5f: {  	[sflag:s14] =	ssyncset.done $0x0  }
0x60: {  	s17 =	sxor.u32 $0x2E00, s19;
	[sflag:s14] =	ssyncadd.s32 $0xFFFFF800  }
0x61: {  	[spmem:s3] =	stream.indirect.scatter.add.f32 [tilespmem:s17], [sflag:$0x2], $0x10, s24, s15, $0xb8;
	[tilespmem:$0x1D600] =	vst v63  }
0x62: {  	_ =	swait.ge [sflag:s14], $0x800  }
0x63: {  	[sflag:s14] =	ssyncset.done $0x0  }
0x64: {  	s17 =	sxor.u32 $0x3600, s19;
	[sflag:s14] =	ssyncadd.s32 $0xFFFFF800  }
0x65: {  	[spmem:s3] =	stream.indirect.scatter.add.f32 [tilespmem:s17], [sflag:$0x2], $0x10, s25, s15, $0xb8;
	[tilespmem:$0x1D600] =	vst v63  }
0x66: {  	_ =	swait.ge [sflag:s14], $0x800  }
.Ltmp0:
0x67: {  	[sflag:s14] =	ssyncset.done $0x0;
	(pc) =	sbr.rel @p0 .LBB2_2-.Ltmp0, $4  }
0x68: {  	s17 =	sxor.u32 $0x3E00, s19;
	[sflag:s14] =	ssyncadd.s32 $0xFFFFF800  }
0x69: {  	[spmem:s3] =	stream.indirect.scatter.add.f32 [tilespmem:s17], [sflag:$0x2], $0x10, s26, s15, $0xb8;
	[tilespmem:$0x1D600] =	vst v63  }
0x6a: {  	s16 =	sadd.s32 $0x40, s16;
	s2 =	sadd.s32 $0x40, s2;
	_ =	swait.ge [sflag:s14], $0x800  }
0x6b: {  	s19 =	sand.u32 $0x1, s18;
	s17 =	smov.u32 s20;
	[sflag:s14] =	ssyncset.done $0x0  }
0x6c: {  	s17 =	sshll.u32 s19, $0x9;
	[sflag:s14] =	ssyncadd.s32 $0xFFFFF800  }
0x6d: {  	[tilespmem:s17], [sflag:$0x2] =	stream.linear.gather [hbm4b:s16+s4], $0x200, $0x38;
	[tilespmem:$0x1D600] =	vst v63  }
0x6e: {  	_ =	swait.ge [sflag:s14], $0x200  }
0x6f: {  	s16 =	sshll.u32 s19, $0xD;
	[sflag:s14] =	ssyncset.done $0x0  }
0x70: {  	s18 =	sor.u32 $0x600, s16;
	[sflag:s14] =	ssyncadd.s32 $0xFFFFFE00  }
0x71: {  	[tilespmem:s18], [sflag:$0x1] =	stream.indirect.gather [hbm4b:s1+s15], $0x10, s17, s15, $0xb8;
	[tilespmem:$0x1D600] =	vst v63  }
0x72: {  	s28 =	sor.u32 $0x80, s17;
	s21 =	sor.u32 $0xE00, s16  }
0x73: {  	[tilespmem:s21], [sflag:$0x1] =	stream.indirect.gather [hbm4b:s1+s15], $0x10, s28, s15, $0xb8;
	[tilespmem:$0x1D600] =	vst v63  }
0x74: {  	s20 =	sor.u32 $0x1600, s16;
	s21 =	sor.u32 $0x100, s17  }
0x75: {  	[tilespmem:s20], [sflag:$0x1] =	stream.indirect.gather [hbm4b:s1+s15], $0x10, s21, s15, $0xb8;
	[tilespmem:$0x1D600] =	vst v63  }
0x76: {  	s28 =	sor.u32 $0x1E00, s16;
	s17 =	sor.u32 $0x180, s17  }
0x77: {  	[tilespmem:s28], [sflag:$0x1] =	stream.indirect.gather [hbm4b:s1+s15], $0x10, s17, s15, $0xb8;
	[tilespmem:$0x1D600] =	vst v63  }
0x78: {  	_ = 	snop  }
0x79: {  	[tilespmem:s22], [sflag:$0x2] =	stream.linear.gather [hbm4b:s2+s4], $0x200, $0x38;
	[tilespmem:$0x1D600] =	vst v63  }
0x7a: {  	_ =	swait.ge [sflag:s14], $0x200  }
0x7b: {  	[sflag:s14] =	ssyncset.done $0x0  }
0x7c: {  	[sflag:s14] =	ssyncadd.s32 $0xFFFFFE00  }
0x7d: {  	_ =	swait.ge [sflag:s23], $0x2000  }
0x7e: {  	[sflag:s23] =	ssyncset.done $0x0  }
0x7f: {  	s18 =	sxor.u32 $0x2600, s16;
	[sflag:s23] =	ssyncadd.s32 $0xFFFFE000  }
0x80: {  	[spmem:s3] =	stream.indirect.scatter.add.f32 [tilespmem:s18], [sflag:$0x2], $0x10, s22, s15, $0xb8;
	[tilespmem:$0x1D600] =	vst v63  }
0x81: {  	_ =	swait.ge [sflag:s14], $0x800  }
0x82: {  	[sflag:s14] =	ssyncset.done $0x0  }
0x83: {  	s19 =	sxor.u32 $0x2E00, s16;
	[sflag:s14] =	ssyncadd.s32 $0xFFFFF800  }
0x84: {  	[spmem:s3] =	stream.indirect.scatter.add.f32 [tilespmem:s19], [sflag:$0x2], $0x10, s24, s15, $0xb8;
	[tilespmem:$0x1D600] =	vst v63  }
0x85: {  	_ =	swait.ge [sflag:s14], $0x800  }
0x86: {  	[sflag:s14] =	ssyncset.done $0x0  }
0x87: {  	s20 =	sxor.u32 $0x3600, s16;
	[sflag:s14] =	ssyncadd.s32 $0xFFFFF800  }
0x88: {  	[spmem:s3] =	stream.indirect.scatter.add.f32 [tilespmem:s20], [sflag:$0x2], $0x10, s25, s15, $0xb8;
	[tilespmem:$0x1D600] =	vst v63  }
0x89: {  	_ =	swait.ge [sflag:s14], $0x800  }
0x8a: {  	[sflag:s14] =	ssyncset.done $0x0  }
0x8b: {  	s21 =	sxor.u32 $0x3E00, s16;
	[sflag:s14] =	ssyncadd.s32 $0xFFFFF800  }
0x8c: {  	[spmem:s3] =	stream.indirect.scatter.add.f32 [tilespmem:s21], [sflag:$0x2], $0x10, s26, s15, $0xb8;
	[tilespmem:$0x1D600] =	vst v63  }
0x8d: {  	_ =	swait.ge [sflag:s14], $0x800  }
0x8e: {  	[sflag:s14] =	ssyncset.done $0x0  }
0x8f: {  	[sflag:s14] =	ssyncadd.s32 $0xFFFFF800  }
0x90: {  	[tilespmem:s22], [sflag:$0x2] =	stream.linear.gather [hbm4b:s8+s4], $0x200, $0x38;
	[tilespmem:$0x1D600] =	vst v63  }
0x91: {  	_ =	swait.ge [sflag:s14], $0x200  }
0x92: {  	[sflag:s14] =	ssyncset.done $0x0  }
0x93: {  	[sflag:s14] =	ssyncadd.s32 $0xFFFFFE00  }
0x94: {  	_ =	swait.ge [sflag:s23], $0x2000  }
0x95: {  	[sflag:s23] =	ssyncset.done $0x0  }
0x96: {  	s28 =	simm.s32 $0x2600;
	[sflag:s23] =	ssyncadd.s32 $0xFFFFE000  }
0x97: {  	[spmem:s3] =	stream.indirect.scatter.add.f32 [tilespmem:s28], [sflag:$0x2], $0x10, s22, s15, $0xb8;
	[tilespmem:$0x1D600] =	vst v63  }
0x98: {  	_ =	swait.ge [sflag:s14], $0x800  }
0x99: {  	[sflag:s14] =	ssyncset.done $0x0  }
0x9a: {  	[sflag:s14] =	ssyncadd.s32 $0xFFFFF800  }
0x9b: {  	[spmem:s3] =	stream.indirect.scatter.add.f32 [tilespmem:s29], [sflag:$0x2], $0x10, s24, s15, $0xb8;
	[tilespmem:$0x1D600] =	vst v63  }
0x9c: {  	_ =	swait.ge [sflag:s14], $0x800  }
0x9d: {  	[sflag:s14] =	ssyncset.done $0x0  }
0x9e: {  	[sflag:s14] =	ssyncadd.s32 $0xFFFFF800  }
0x9f: {  	[spmem:s3] =	stream.indirect.scatter.add.f32 [tilespmem:s30], [sflag:$0x2], $0x10, s25, s15, $0xb8;
	[tilespmem:$0x1D600] =	vst v63  }
0xa0: {  	_ =	swait.ge [sflag:s14], $0x800  }
0xa1: {  	[sflag:s14] =	ssyncset.done $0x0  }
0xa2: {  	[sflag:s14] =	ssyncadd.s32 $0xFFFFF800  }
0xa3: {  	[spmem:s3] =	stream.indirect.scatter.add.f32 [tilespmem:s31], [sflag:$0x2], $0x10, s26, s15, $0xb8;
	[tilespmem:$0x1D600] =	vst v63  }
0xa4: {  	_ =	swait.ge [sflag:s14], $0x800  }
0xa5: {  	s0 =	sadd.s32 $0x1, s0;
	[sflag:s14] =	ssyncset.done $0x0  }
0xa6: {  	p0 =	sne.s32 s0, s10;
	[sflag:s14] =	ssyncadd.s32 $0xFFFFF800  }
.Ltmp1:
0xa7: {  	[bflag:$0x0] =	sbarrier.arrive $0xFFFF;
	(pc) =	sbr.rel @p0 .LBB2_1-.Ltmp1, $4  }
0xa8: {  	[hbm:s9], [sflag:s6] =	dma.local [spmem:s13], $0x3200  }
0xa9: {  	_ =	swait.ge [sflag:s14], $0x3200  }
0xaa: {  	[sflag:s14] =	ssyncset.done $0x0  }
0xab: {  	[sflag:s14] =	ssyncadd.s32 $0xFFFFCE00  }
0xac: {  	_ =	sfence.sel $0x180000  }
0xad: {  	[bflag:$0x0] =	sbarrier.arrive $0xFFFF  }
0xae: {  	_ =	strace $0x9000004D  }
0xaf: {  	s0 =	stileid.u32;
	[bflag:$0x2] =	sbarrier.arrive $0xFFFF  }
0xb0: {  	p0 =	sne.s32 s0, $0x0;
	s0 =	rddreg [dreg:$0x3]  }
0xb1: {  	s0 =	sadd.s32 @!p0 $0x100000, s0  }
0xb2: {  	[sflag:s0] =	ssyncadd.tile.s32 @!p0 $0x1;
	_ =	shalt  }
.Lfunc_end2:
_tile_overlayer_lowered:
.L_overlay_start_2:
0xb3: {  	(tag) =	ssettag $0x2  }
0xb4: {  	s0 =	rddreg [dreg:$0x0];
	s2 =	stileid.u32  }
0xb5: {  	s1 =	rddreg [dreg:$0x1];
	p0 =	sne.s32 s2, $0x0  }
0xb6: {  	s3 =	rddreg [dreg:$0x2];
	[bflag:$0x3] =	sbarrier.arrive $0xFFFF;
	s2 =	simm.s32 @!p0 $0x1C02  }
0xb7: {  	[timem:s3], [sflag:s2] =	dma.local @!p0 [hbm:s0], s1  }
0xb8: {  	s0 =	simm.s32 @!p0 $0x2  }
0xb9: {  	_ =	swait.ge @!p0 [sflag:s0], s1  }
0xba: {  	s1 =	ssub.s32 @!p0 $0x0, s1;
	[sflag:s0] =	ssyncset.done @!p0 $0x0  }
0xbb: {  	[sflag:s0] =	ssyncadd.s32 @!p0 s1  }
0xbc: {  	[bflag:$0x3] =	sbarrier.arrive $0xFFFF  }
0xbd: {  	_ =	shalt  }

// kernel: kernel.8.cloned.1.call-start
scs
__scs_entry_jumppad:
0x0: {  	(pc) =	sbr.rel $0x88, $3  }
0x1: {  	(tag) =	ssettag $0x0;
	lr =	simm.s32 $0x1  }
0x2: {  	[smem:$0x3F9B] =	sst lr;
	_ =	strace $0xD0000000  }
0x3: {  	_ = 	snop  }
0x4: {  	_ = 	snop  }
0x5: {  	_ = 	snop  }
0x6: {  	_ = 	snop  }
0x7: {  	_ = 	snop  }
__scs_overlays_trampoline_lowered:
0x8: {  	[smem:$0x3FAA] =	sst s0  }
0x9: {  	[smem:$0x3FAB] =	sst s1  }
0xa: {  	[smem:$0x3FAC] =	sst s2  }
0xb: {  	[smem:$0x3FAD] =	sst s3  }
0xc: {  	[smem:$0x3FAE] =	sst s4  }
0xd: {  	[smem:$0x3FAF] =	sst s5  }
0xe: {  	[smem:$0x3FB0] =	sst s6  }
0xf: {  	[smem:$0x3FB1] =	sst s7  }
0x10: {  	[smem:$0x3FB2] =	sst s8  }
0x11: {  	[smem:$0x3FB3] =	sst s9;
	s0 =	simm.s32 @!p0 $0x0  }
0x12: {  	s1 =	sld [smem:$0x3F99];
	s0 =	simm.s32 @p0 $0x1  }
0x13: {  	[smem:$0x3FB4] =	sst s0;
	s0 =	simm.s32 @!p1 $0x0  }
0x14: {  	s2 =	sld [smem:$0x3F98];
	s0 =	simm.s32 @p1 $0x1  }
0x15: {  	[smem:$0x3FB5] =	sst s0;
	s0 =	simm.s32 @!p2 $0x0  }
0x16: {  	s3 =	sld [smem:$0x3FDB];
	s0 =	simm.s32 @p2 $0x1  }
0x17: {  	s4 =	simm.s32 $0x1BF5;
	[smem:$0x3FB7] =	sst s0  }
0x18: {  	s0 =	sld [smem:$0x3F9A];
	_ =	swait.ge [sflag:s4], $0x0  }
0x19: {  	s7 =	sld [smem:$0x3F9B]  }
0x1a: {  	s8 =	sadd.s32 $0xFFFFE003, lr  }
0x1b: {  	s9 =	sadd.s32 $0xFFFFFEF7, lr;
	s5 =	simm.s32 $0xFFFFFFFF;
	p2 =	slt.u32 s8, $0xFFFFF086  }
0x1c: {  	p1 =	slt.u32 s9, $0xF7A;
	s5 =	simm.s32 @!p2 $0x0  }
0x1d: {  	s5 =	simm.s32 @p1 $0x1;
	p0 =	seq.s32 s7, s2  }
0x1e: {  	s7 =	smul.u32 @!p0 $0xF7A, s2;
	p2 =	seq.s32 @!p0 s5, $0x0  }
0x1f: {  	s9 =	smul.u32 $0xF7A, s1;
	s8 =	simm.s32 @!p0 $0x1BF5;
	p2 =	por !p2, p0  }
0x20: {  	[sflag:s8] =	ssyncset.s32 @!p0 $0xFFFFF086;
	s6 =	sadd.s32 @!p0 s3, s7;
	s7 =	simm.s32 @!p0 $0x108  }
0x21: {  	s3 =	sadd.s32 s3, s9;
	s6 =	sadd.s32 @!p0 $0x88, s6;
	s7 =	simm.s32 @p2 $0x1082  }
0x22: {  	[simem:s7], [sflag:s8] =	dma.local @!p0 [hbm:s6], $0xF7A  }
0x23: {  	s9 =	sor.u32 $0xD0000000, s2;
	s6 =	simm.s32 $0x108;
	_ =	swait.ge @!p0 [sflag:s8], $0x0  }
0x24: {  	s3 =	sadd.s32 $0x88, s3;
	s6 =	simm.s32 @!p1 $0x1082;
	[sflag:s4] =	ssyncset.s32 $0xFFFFF086  }
0x25: {  	[simem:s6], [sflag:s4] =	dma.local [hbm:s3], $0xF7A  }
0x26: {  	[smem:$0x3F9B] =	sst s1;
	(tag) =	ssettag s2;
	_ =	strace s9  }
0x27: {  	s1 =	sld [smem:$0x3FAB]  }
0x28: {  	s2 =	sld [smem:$0x3FAC]  }
0x29: {  	s4 =	sld [smem:$0x3FAE]  }
0x2a: {  	p0 =	seq.s32 s5, $0x0;
	s5 =	sld [smem:$0x3FAF]  }
0x2b: {  	s6 =	sld [smem:$0x3FB0]  }
0x2c: {  	s7 =	sld [smem:$0x3FB1]  }
0x2d: {  	s3 =	simm.s32 $0x108;
	s8 =	sld [smem:$0x3FB2]  }
0x2e: {  	s3 =	simm.s32 @!p0 $0x1082;
	s9 =	sld [smem:$0x3FB3]  }
0x2f: {  	lr =	sadd.s32 s0, s3;
	s0 =	sld [smem:$0x3FAA]  }
0x30: {  	s3 =	sld [smem:$0x3FAD]  }
0x31: {  	[smem:$0x3FB6] =	sst s10  }
0x32: {  	s10 =	sld [smem:$0x3FB4];
	_ =	sdelay $0x3  }
0x33: {  	p0 =	seq.s32 s10, $0x1;
	s10 =	sld [smem:$0x3FB6];
	_ =	sdelay $0x3  }
0x34: {  	[smem:$0x3FB6] =	sst s10  }
0x35: {  	s10 =	sld [smem:$0x3FB5];
	_ =	sdelay $0x3  }
0x36: {  	p1 =	seq.s32 s10, $0x1;
	s10 =	sld [smem:$0x3FB6];
	_ =	sdelay $0x3  }
0x37: {  	[smem:$0x3FB6] =	sst s10  }
0x38: {  	s10 =	sld [smem:$0x3FB7]  }
0x39: {  	_ = 	snop;
	(pc) =	sbr.ind lr, $3  }
0x3a: {  	_ = 	snop  }
0x3b: {  	_ = 	snop  }
0x3c: {  	p2 =	seq.s32 s10, $0x1;
	s10 =	sld [smem:$0x3FB6]  }
0x3d: {  	_ =	shalt  }
0x3e: {  	_ =	shalt  }
0x3f: {  	_ =	shalt  }
0x40: {  	_ =	shalt  }
0x41: {  	_ =	shalt  }
0x42: {  	_ =	shalt  }
0x43: {  	_ =	shalt  }
0x44: {  	_ =	shalt  }
0x45: {  	_ =	shalt  }
0x46: {  	_ =	shalt  }
0x47: {  	_ =	shalt  }
0x48: {  	_ =	shalt  }
0x49: {  	_ =	shalt  }
0x4a: {  	_ =	shalt  }
0x4b: {  	_ =	shalt  }
0x4c: {  	_ =	shalt  }
0x4d: {  	_ =	shalt  }
0x4e: {  	_ =	shalt  }
0x4f: {  	_ =	shalt  }
0x50: {  	_ =	shalt  }
0x51: {  	_ =	shalt  }
0x52: {  	_ =	shalt  }
0x53: {  	_ =	shalt  }
0x54: {  	_ =	shalt  }
0x55: {  	_ =	shalt  }
0x56: {  	_ =	shalt  }
0x57: {  	_ =	shalt  }
0x58: {  	_ =	shalt  }
0x59: {  	_ =	shalt  }
0x5a: {  	_ =	shalt  }
0x5b: {  	_ =	shalt  }
0x5c: {  	_ =	shalt  }
0x5d: {  	_ =	shalt  }
0x5e: {  	_ =	shalt  }
0x5f: {  	_ =	shalt  }
0x60: {  	_ =	shalt  }
0x61: {  	_ =	shalt  }
0x62: {  	_ =	shalt  }
0x63: {  	_ =	shalt  }
0x64: {  	_ =	shalt  }
0x65: {  	_ =	shalt  }
0x66: {  	_ =	shalt  }
0x67: {  	_ =	shalt  }
0x68: {  	_ =	shalt  }
0x69: {  	_ =	shalt  }
0x6a: {  	_ =	shalt  }
0x6b: {  	_ =	shalt  }
0x6c: {  	_ =	shalt  }
0x6d: {  	_ =	shalt  }
0x6e: {  	_ =	shalt  }
0x6f: {  	_ =	shalt  }
0x70: {  	_ =	shalt  }
0x71: {  	_ =	shalt  }
0x72: {  	_ =	shalt  }
0x73: {  	_ =	shalt  }
0x74: {  	_ =	shalt  }
0x75: {  	_ =	shalt  }
0x76: {  	_ =	shalt  }
0x77: {  	_ =	shalt  }
0x78: {  	_ =	shalt  }
0x79: {  	_ =	shalt  }
0x7a: {  	_ =	shalt  }
0x7b: {  	_ =	shalt  }
0x7c: {  	_ =	shalt  }
0x7d: {  	_ =	shalt  }
0x7e: {  	_ =	shalt  }
0x7f: {  	_ =	shalt  }
0x80: {  	_ =	shalt  }
0x81: {  	_ =	shalt  }
0x82: {  	_ =	shalt  }
0x83: {  	_ =	shalt  }
0x84: {  	_ =	shalt  }
0x85: {  	_ =	shalt  }
0x86: {  	_ =	shalt  }
0x87: {  	_ =	shalt  }
.Lfunc_end0:
.L_simem_size_0:
called_computation_lowered:
.L_overlay_start_0:
0x88: {  	s2 =	sld [smem:$0x3FD9]  }
0x89: {  	s3 =	sld [smem:$0x3FFE];
	_ =	sdelay $0x1  }
0x8a: {  	s1 =	srdreg.scid  }
0x8b: {  	s0 =	sand.u32 $0x1, s1  }
0x8c: {  	s17 =	sshll.u32 s0, $0xA;
	s2 =	sadd.s32 s3, s2  }
0x8d: {  	s2 =	sadd.s32 s2, s17  }
0x8e: {  	[smem:$0x3FC2] =	sst s2  }
0x8f: {  	_ = 	snop  }
0x90: {  	s2 =	sld [smem:$0x3FD0];
	(tm) =	ssettm $0x1  }
0x91: {  	s18 =	sld [smem:$0x3FFB];
	_ =	sdelay $0x3  }
0x92: {  	_ =	strace s18  }
0x93: {  	s3 =	sld [smem:$0x3FFC];
	_ =	sdelay $0x3  }
0x94: {  	_ =	strace s3  }
0x95: {  	s3 =	sld [smem:$0x3FFD];
	_ =	sdelay $0x3  }
0x96: {  	_ =	strace s3  }
0x97: {  	_ =	strace $0x8FFFFFFF  }
0x98: {  	s19 =	sld [smem:$0x3FDB];
	_ =	sdelay $0x1  }
0x99: {  	s4 =	simm.s32 $_scs_section_size  }
0x9a: {  	s5 =	simm.s32 $_size__tile_overlayer_lowered;
	s6 =	simm.s32 $_tile_overlayer_lowered  }
0x9b: {  	s22 =	simm.s32 $0x1BFF;
	s21 =	sshll.u32 s6, $0x1;
	s3 =	sadd.s32 s4, s19  }
0x9c: {  	s7 =	simm.s32 $0x0;
	s20 =	sshll.u32 s5, $0x1;
	s5 =	sadd.s32 s21, s3  }
0x9d: {  	[timem:s7], [sflag:s22] =	dma.local [hbm:s5], s20  }
0x9e: {  	_ =	swait.ge [sflag:s22], s20  }
0x9f: {  	s4 =	ssub.s32 $0x0, s20;
	[sflag:s22] =	ssyncset.done $0x0  }
0xa0: {  	[sflag:s22] =	ssyncadd.s32 s4;
	_ =	sdelay $0x1  }
0xa1: {  	s23 =	simm.s32 $0x1B8B  }
0xa2: {  	_ =	swait.ge [sflag:s23], $0x1  }
0xa3: {  	[sflag:s23] =	ssyncset.done $0x0  }
0xa4: {  	s25 =	simm.s32 $0x1B8E;
	s24 =	sld [smem:$0x3FFE];
	[sflag:s23] =	ssyncadd.s32 $0xFFFFFFFF  }
0xa5: {  	s26 =	simm.s32 $execute0_lowered;
	[smem:$0x3FD2] =	sst s25  }
0xa6: {  	s5 =	sshll.u32 s26, $0x1;
	_ =	strace $0x80000046;
	[dreg:$0x1] =	wrdreg $0xFFFFFFFF  }
0xa7: {  	s28 =	simm.s32 $_size_execute0_lowered;
	s3 =	sadd.s32 s3, s5;
	[dreg:$0x0] =	wrdreg $0x0  }
0xa8: {  	s5 =	sshll.u32 s28, $0x1;
	[dreg:$0x2] =	wrdreg s3  }
0xa9: {  	[dreg:$0x3] =	wrdreg s5  }
0xaa: {  	[dreg:$0x4] =	wrdreg $0xC0  }
0xab: {  	_ =	task [dreg:s7], $0x5FFFF  }
0xac: {  	[dreg:$0x1] =	wrdreg $0xFFFFFFFF  }
0xad: {  	[dreg:$0x0] =	wrdreg $0x60  }
0xae: {  	[dreg:$0x2] =	wrdreg s24  }
0xaf: {  	[dreg:$0x3] =	wrdreg s2  }
0xb0: {  	[dreg:$0x4] =	wrdreg $0x6000  }
0xb1: {  	[dreg:$0x5] =	wrdreg $0x9  }
0xb2: {  	_ =	task.clear_ibuf [dreg:s7], $0x6FFFF;
	_ =	strace $0x90000046  }
0xb3: {  	s29 =	simm.s32 $0x9;
	_ =	strace $0x80000048  }
0xb4: {  	_ =	swait.ge [sflag:s29], $0x1  }
0xb5: {  	[sflag:s29] =	ssyncadd.s32 $0xFFFFFFFF  }
0xb6: {  	_ =	strace $0x90000048  }
0xb7: {  	_ =	sfence  }
0xb8: {  	s30 =	sld [smem:$0x0];
	_ =	sdelay $0x2  }
0xb9: {  	s31 =	sshll.u32 s1, $0xD;
	s1 =	sshrl.u32 s1, $0x2  }
0xba: {  	s3 =	sand.u32 $0x4000, s31;
	s1 =	sadd.s32 s1, s30  }
0xbb: {  	s0 =	sor.u32 s3, s0;
	s1 =	sshll.u32 s1, $0x11  }
0xbc: {  	s0 =	sor.u32 s1, s0  }
0xbd: {  	s0 =	sadd.s32 $0x8F2B, s0  }
0xbe: {  	[sflag:s0] =	ssyncadd.remote.s32 $0x1  }
0xbf: {  	_ =	sfence.sel $0xFFFF  }
0xc0: {  	[dreg:$0x0] =	wrdreg $0xFFFFFFFF;
	(pc) =	sbr.abs _section_cstart, $3  }
0xc1: {  	[dreg:$0x1] =	wrdreg $0xFFFFFFFF  }
0xc2: {  	_ =	task.clear_ibuf [dreg:s7], $0x2FFFF;
	_ =	strace $0x9FFFFFFF  }
0xc3: {  	(tm) =	ssettm $0x7FFFFFFF  }
tec
execute0_lowered:
.L_overlay_start_1:
0x0: {  	(tag) =	ssettag $0x1  }
0x1: {  	s6 =	rddreg [dreg:$0x0];
	s1 =	srdreg.scid  }
0x2: {  	s0 =	stileid.u32;
	s2 =	rddreg [dreg:$0x1]  }
0x3: {  	s3 =	rddreg [dreg:$0x2];
	s4 =	simm.s32 $0x0;
	s13 =	simm.s32 $0x80  }
0x4: {  	s14 =	simm.s32 $0x100;
	s15 =	simm.s32 $0x180;
	s7 =	smul.u32 $0x19000, s0  }
0x5: {  	s5 =	sand.u32 $0x1, s1;
	s1 =	rddreg [dreg:$0x3];
	s9 =	smul.u32 $0xC800, s0  }
0x6: {  	s16 =	simm.s32 $0x0;
	[smem:$0x7FF] =	sst s4;
	s8 =	smul.u32 $0xC800, s5  }
0x7: {  	s31 =	sshll.u32 s0, $0x6;
	s26 =	smul.u32 $0xC8000, s5;
	s29 =	ssub.s32 $0x2, s5  }
0x8: {  	_ =	strace $0x80000047;
	s5 =	sadd.s32 $0x33600, s6;
	s11 =	sshrl.u32 s29, $0x1  }
0x9: {  	s12 =	sadd.s32 s9, s3;
	s7 =	sadd.s32 s8, s7;
	s28 =	sadd.s32 s9, s26  }
0xa: {  	s30 =	ssub.s32 s29, s11;
	s9 =	simm.s32 $0x200;
	s7 =	sshrl.u32 s7, $0x3  }
0xb: {  	s11 =	sor.u32 $0x1C01, s31;
	s10 =	sadd.s32 s7, s6;
	s7 =	sshrl.u32 s28, $0x3  }
0xc: {  	s12 =	sshrl.u32 s12, $0x3;
	s6 =	sadd.s32 s7, s6;
	s7 =	smax.u32 s30, $0x1  }
0xd: {  	s8 =	sadd.s32 $0x1600, s10;
	s10 =	simm.s32 $0x1;
	s6 =	sadd.s32 $0x35000, s6  }
.LBB2_1:
0xe: {  	[tilespmem:s9], [sflag:$0x1] =	stream.linear.gather [hbm4b:s2+s4], $0x400, $0x38;
	[tilespmem:$0xCE00] =	vst v63  }
0xf: {  	_ =	swait.ge [sflag:s10], $0x400  }
0x10: {  	[sflag:s10] =	ssyncset.done $0x0  }
0x11: {  	[sflag:s10] =	ssyncadd.s32 $0xFFFFFC00  }
0x12: {  	[spmem:s12], [sflag:s11] =	dma.local [hbm:s5], $0x1900  }
0x13: {  	_ =	swait.ge [sflag:s10], $0x1900  }
0x14: {  	[sflag:s10] =	ssyncset.done $0x0  }
0x15: {  	[sflag:s10] =	ssyncadd.s32 $0xFFFFE700  }
0x16: {  	s17 =	sadd.s32 $0x0, s8;
	[bflag:$0x0] =	sbarrier.arrive $0xFFFF  }
0x17: {  	[tilespmem:s4], [sflag:$0x1] =	stream.linear.gather [hbm4b:s17+s4], $0x200, $0x38;
	[tilespmem:$0xCE00] =	vst v63  }
0x18: {  	_ =	swait.ge [sflag:s10], $0x200  }
0x19: {  	[sflag:s10] =	ssyncset.done $0x0  }
0x1a: {  	[sflag:s10] =	ssyncadd.s32 $0xFFFFFE00  }
0x1b: {  	[spmem:s3] =	stream.indirect.scatter.add.f32 [tilespmem:s9], [sflag:$0x1], $0x8, s4, s13, $0xb8;
	[tilespmem:$0xCE00] =	vst v63  }
0x1c: {  	_ =	swait.ge [sflag:s10], $0x400  }
0x1d: {  	[sflag:s10] =	ssyncset.done $0x0  }
0x1e: {  	[sflag:s10] =	ssyncadd.s32 $0xFFFFFC00  }
0x1f: {  	[spmem:s3] =	stream.indirect.scatter.add.f32 [tilespmem:s9], [sflag:$0x1], $0x8, s13, s13, $0xb8;
	[tilespmem:$0xCE00] =	vst v63  }
0x20: {  	_ =	swait.ge [sflag:s10], $0x400  }
0x21: {  	[sflag:s10] =	ssyncset.done $0x0  }
0x22: {  	[sflag:s10] =	ssyncadd.s32 $0xFFFFFC00  }
0x23: {  	[spmem:s3] =	stream.indirect.scatter.add.f32 [tilespmem:s9], [sflag:$0x1], $0x8, s14, s13, $0xb8;
	[tilespmem:$0xCE00] =	vst v63  }
0x24: {  	_ =	swait.ge [sflag:s10], $0x400  }
0x25: {  	[sflag:s10] =	ssyncset.done $0x0  }
0x26: {  	[sflag:s10] =	ssyncadd.s32 $0xFFFFFC00  }
0x27: {  	[spmem:s3] =	stream.indirect.scatter.add.f32 [tilespmem:s9], [sflag:$0x1], $0x8, s15, s13, $0xb8;
	[tilespmem:$0xCE00] =	vst v63  }
0x28: {  	_ =	swait.ge [sflag:s10], $0x400  }
0x29: {  	s18 =	simm.s32 $0x80;
	s17 =	simm.s32 $0x40;
	[sflag:s10] =	ssyncset.done $0x0  }
.LBB2_2:
0x2a: {  	s19 =	sadd.s32 s17, s8  }
0x2b: {  	[sflag:s10] =	ssyncadd.s32 $0xFFFFFC00;
	s17 =	smov.u32 s18;
	s20 =	sadd.s32 $0x40, s18  }
0x2c: {  	[tilespmem:s4], [sflag:$0x1] =	stream.linear.gather [hbm4b:s19+s4], $0x200, $0x38;
	[tilespmem:$0xCE00] =	vst v63  }
0x2d: {  	p0 =	sne.s32 s18, $0x18C0;
	_ =	swait.ge [sflag:s10], $0x200  }
0x2e: {  	[sflag:s10] =	ssyncset.done $0x0  }
0x2f: {  	[sflag:s10] =	ssyncadd.s32 $0xFFFFFE00  }
0x30: {  	[spmem:s3] =	stream.indirect.scatter.add.f32 [tilespmem:s9], [sflag:$0x1], $0x8, s4, s13, $0xb8;
	[tilespmem:$0xCE00] =	vst v63  }
0x31: {  	_ =	swait.ge [sflag:s10], $0x400  }
0x32: {  	[sflag:s10] =	ssyncset.done $0x0  }
0x33: {  	[sflag:s10] =	ssyncadd.s32 $0xFFFFFC00  }
0x34: {  	[spmem:s3] =	stream.indirect.scatter.add.f32 [tilespmem:s9], [sflag:$0x1], $0x8, s13, s13, $0xb8;
	[tilespmem:$0xCE00] =	vst v63  }
0x35: {  	_ =	swait.ge [sflag:s10], $0x400  }
0x36: {  	[sflag:s10] =	ssyncset.done $0x0  }
0x37: {  	[sflag:s10] =	ssyncadd.s32 $0xFFFFFC00  }
0x38: {  	[spmem:s3] =	stream.indirect.scatter.add.f32 [tilespmem:s9], [sflag:$0x1], $0x8, s14, s13, $0xb8;
	[tilespmem:$0xCE00] =	vst v63  }
0x39: {  	_ =	swait.ge [sflag:s10], $0x400  }
.Ltmp0:
0x3a: {  	[sflag:s10] =	ssyncset.done $0x0;
	(pc) =	sbr.rel @p0 .LBB2_2-.Ltmp0, $4  }
0x3b: {  	[sflag:s10] =	ssyncadd.s32 $0xFFFFFC00  }
0x3c: {  	[spmem:s3] =	stream.indirect.scatter.add.f32 [tilespmem:s9], [sflag:$0x1], $0x8, s15, s13, $0xb8;
	[tilespmem:$0xCE00] =	vst v63  }
0x3d: {  	_ =	swait.ge [sflag:s10], $0x400  }
0x3e: {  	s18 =	smov.u32 s20;
	[sflag:s10] =	ssyncset.done $0x0  }
0x3f: {  	s17 =	sadd.s32 s17, s8;
	[sflag:s10] =	ssyncadd.s32 $0xFFFFFC00  }
0x40: {  	[tilespmem:s4], [sflag:$0x1] =	stream.linear.gather [hbm4b:s17+s4], $0x200, $0x38;
	[tilespmem:$0xCE00] =	vst v63  }
0x41: {  	_ =	swait.ge [sflag:s10], $0x200  }
0x42: {  	[sflag:s10] =	ssyncset.done $0x0  }
0x43: {  	[sflag:s10] =	ssyncadd.s32 $0xFFFFFE00  }
0x44: {  	[spmem:s3] =	stream.indirect.scatter.add.f32 [tilespmem:s9], [sflag:$0x1], $0x8, s4, s13, $0xb8;
	[tilespmem:$0xCE00] =	vst v63  }
0x45: {  	_ =	swait.ge [sflag:s10], $0x400  }
0x46: {  	[sflag:s10] =	ssyncset.done $0x0  }
0x47: {  	[sflag:s10] =	ssyncadd.s32 $0xFFFFFC00  }
0x48: {  	[spmem:s3] =	stream.indirect.scatter.add.f32 [tilespmem:s9], [sflag:$0x1], $0x8, s13, s13, $0xb8;
	[tilespmem:$0xCE00] =	vst v63  }
0x49: {  	_ =	swait.ge [sflag:s10], $0x400  }
0x4a: {  	[sflag:s10] =	ssyncset.done $0x0  }
0x4b: {  	[sflag:s10] =	ssyncadd.s32 $0xFFFFFC00  }
0x4c: {  	[spmem:s3] =	stream.indirect.scatter.add.f32 [tilespmem:s9], [sflag:$0x1], $0x8, s14, s13, $0xb8;
	[tilespmem:$0xCE00] =	vst v63  }
0x4d: {  	_ =	swait.ge [sflag:s10], $0x400  }
0x4e: {  	[sflag:s10] =	ssyncset.done $0x0  }
0x4f: {  	[sflag:s10] =	ssyncadd.s32 $0xFFFFFC00  }
0x50: {  	[spmem:s3] =	stream.indirect.scatter.add.f32 [tilespmem:s9], [sflag:$0x1], $0x8, s15, s13, $0xb8;
	[tilespmem:$0xCE00] =	vst v63  }
0x51: {  	_ =	swait.ge [sflag:s10], $0x400  }
0x52: {  	s16 =	sadd.s32 $0x1, s16;
	[sflag:s10] =	ssyncset.done $0x0  }
0x53: {  	p0 =	sne.s32 s16, s7;
	[sflag:s10] =	ssyncadd.s32 $0xFFFFFC00  }
.Ltmp1:
0x54: {  	[bflag:$0x0] =	sbarrier.arrive $0xFFFF;
	(pc) =	sbr.rel @p0 .LBB2_1-.Ltmp1, $4  }
0x55: {  	[hbm:s6], [sflag:s11] =	dma.local [spmem:s12], $0x1900  }
0x56: {  	_ =	swait.ge [sflag:s10], $0x1900  }
0x57: {  	[sflag:s10] =	ssyncset.done $0x0  }
0x58: {  	[sflag:s10] =	ssyncadd.s32 $0xFFFFE700  }
0x59: {  	_ =	sfence.sel $0x180000  }
0x5a: {  	[bflag:$0x0] =	sbarrier.arrive $0xFFFF  }
0x5b: {  	p0 =	sne.s32 s0, $0x0;
	_ =	strace $0x90000047  }
0x5c: {  	s0 =	sadd.s32 @!p0 $0x100000, s1;
	[bflag:$0x2] =	sbarrier.arrive $0xFFFF  }
0x5d: {  	[sflag:s0] =	ssyncadd.tile.s32 @!p0 $0x1;
	_ =	shalt  }
.Lfunc_end2:
_tile_overlayer_lowered:
.L_overlay_start_2:
0x5e: {  	(tag) =	ssettag $0x2  }
0x5f: {  	s0 =	rddreg [dreg:$0x0];
	s2 =	stileid.u32  }
0x60: {  	s1 =	rddreg [dreg:$0x1];
	p0 =	sne.s32 s2, $0x0  }
0x61: {  	s3 =	rddreg [dreg:$0x2];
	[bflag:$0x3] =	sbarrier.arrive $0xFFFF;
	s2 =	simm.s32 @!p0 $0x1C01  }
0x62: {  	[timem:s3], [sflag:s2] =	dma.local @!p0 [hbm:s0], s1  }
0x63: {  	s0 =	simm.s32 @!p0 $0x1  }
0x64: {  	_ =	swait.ge @!p0 [sflag:s0], s1  }
0x65: {  	s1 =	ssub.s32 @!p0 $0x0, s1;
	[sflag:s0] =	ssyncset.done @!p0 $0x0  }
0x66: {  	[sflag:s0] =	ssyncadd.s32 @!p0 s1  }
0x67: {  	[bflag:$0x3] =	sbarrier.arrive $0xFFFF  }
0x68: {  	_ =	shalt  }

</sc_bundles>
